<compile_context>
chip_gen: v7x
topology: tpu7x:2x2x1
jax: 0.10.2.dev20260603
libtpu: 0.0.44.dev20260713+nightly
codegen_flags: <defaults>
</compile_context>

<pallas_src>
import functools

import jax
import jax.numpy as jnp
from jax import lax
from jax.experimental import pallas as pl
from jax.experimental.pallas import tpu as pltpu
from jax.experimental.pallas import tpu_sc as plsc

N = 10000
E = 320000
D_IN = 128
D_H = 256
D_OUT = 128

NP = 10240
NE = 323584
CH = 128
NTILES = 16
RPT = NP // NTILES

F_S = 8



def _make_spmm(feature_split, bf16_wide=False):
    EPT = NE // NTILES if feature_split else NE // (2 * NTILES)
    NCH = EPT // CH
    if bf16_wide:
        row_shape = (2, 128)
        dt = jnp.bfloat16
    else:
        row_shape = (128,)
        dt = jnp.float32
    mesh = plsc.VectorSubcoreMesh(core_axis_name="c", subcore_axis_name="s")

    @functools.partial(
        pl.kernel,
        mesh=mesh,
        compiler_params=(
            pltpu.CompilerParams(use_tc_tiling_on_sc=True)
            if bf16_wide else None),
        out_type=jax.ShapeDtypeStruct((2 * NP,) + row_shape, dt),
        scratch_types=[
            pltpu.VMEM_SHARED((NP,) + row_shape, dt),
            pltpu.VMEM((CH,), jnp.int32),
            pltpu.VMEM((CH,), jnp.int32),
            pltpu.VMEM((CH,) + row_shape, dt),
            pltpu.SemaphoreType.DMA,
        ],
    )
    def spmm(tab, src_i, dst_i, zrows, out, acc, si0, di0, r0, gs0):
        c = lax.axis_index("c")
        s = lax.axis_index("s")
        pltpu.sync_copy(zrows, acc.at[pl.ds(s * RPT, RPT)])
        base = (s if feature_split else c * NTILES + s) * EPT
        plsc.subcore_barrier()

        def chunk(j, carry):
            off = base + j * CH
            pltpu.sync_copy(src_i.at[pl.ds(off, CH)], si0)
            pltpu.sync_copy(dst_i.at[pl.ds(off, CH)], di0)
            if feature_split:
                for k in range(CH // 16):
                    sl = pl.ds(k * 16, 16)
                    si0[sl] = si0[sl] * 2 + c
            pltpu.async_copy(tab.at[si0], r0, gs0).wait()
            pltpu.sync_copy(r0, acc.at[di0], add=True)
            return carry

        lax.fori_loop(0, NCH, chunk, 0)
        plsc.subcore_barrier()
        pltpu.sync_copy(acc.at[pl.ds(s * RPT, RPT)],
                        out.at[pl.ds(c * NP + s * RPT, RPT)])

    return spmm


NR = NP // 128


def _make_deg():
    EPT = NE // (2 * NTILES)
    mesh = plsc.VectorSubcoreMesh(core_axis_name="c", subcore_axis_name="s")

    @functools.partial(
        pl.kernel,
        mesh=mesh,
        compiler_params=pltpu.CompilerParams(needs_layout_passes=False),
        out_type=jax.ShapeDtypeStruct((2 * NR, 128), jnp.float32),
        scratch_types=[
            pltpu.VMEM_SHARED((NR, 128), jnp.float32),
            pltpu.VMEM((NR, 128), jnp.float32),
            pltpu.VMEM((EPT,), jnp.int32),
            pltpu.VMEM((NR,), jnp.int32),
        ],
    )
    def degk(dst_i, zrows, out, acc, loc, didx, rid):
        c = lax.axis_index("c")
        s = lax.axis_index("s")
        pltpu.sync_copy(zrows, acc.at[pl.ds(0, NR)])
        pltpu.sync_copy(zrows, loc)
        base = (c * NTILES + s) * EPT
        pltpu.sync_copy(dst_i.at[pl.ds(base, EPT)], didx)
        for k in range(NR // 16):
            rid[pl.ds(k * 16, 16)] = lax.iota(jnp.int32, 16) + (k * 16)
        plsc.subcore_barrier()
        ones16 = jnp.full((16,), 1.0, jnp.float32)

        def step(j, carry):
            d16 = didx[pl.ds(j * 16, 16)]
            plsc.addupdate_scatter(
                loc,
                [lax.shift_right_logical(d16, 7), lax.bitwise_and(d16, 127)],
                ones16)
            return carry

        lax.fori_loop(0, EPT // 16, step, 0)
        pltpu.sync_copy(loc, acc.at[rid], add=True)
        plsc.subcore_barrier()

        @pl.when(s < NR // 8)
        def _():
            pltpu.sync_copy(acc.at[pl.ds(s * 8, 8)],
                            out.at[pl.ds(c * NR + s * 8, 8)])

    return degk


def _make_cseg():
    EPT = NE // (2 * NTILES)
    mesh = plsc.VectorSubcoreMesh(core_axis_name="c", subcore_axis_name="s")

    @functools.partial(
        pl.kernel,
        mesh=mesh,
        compiler_params=pltpu.CompilerParams(needs_layout_passes=False),
        out_type=jax.ShapeDtypeStruct((2 * NR, 128), jnp.float32),
        scratch_types=[
            pltpu.VMEM_SHARED((NR, 128), jnp.float32),
            pltpu.VMEM((NR, 128), jnp.float32),
            pltpu.VMEM((NR, 128), jnp.float32),
            pltpu.VMEM((EPT,), jnp.int32),
            pltpu.VMEM((EPT,), jnp.int32),
            pltpu.VMEM((NR,), jnp.int32),
        ],
    )
    def cseg(dinv_h, src_i, dst_i, zrows, out, acc, dinv_v, loc,
             sidx, didx, rid):
        c = lax.axis_index("c")
        s = lax.axis_index("s")
        pltpu.sync_copy(zrows, acc.at[pl.ds(0, NR)])
        pltpu.sync_copy(zrows, loc)
        pltpu.sync_copy(dinv_h, dinv_v)
        base = (c * NTILES + s) * EPT
        pltpu.sync_copy(src_i.at[pl.ds(base, EPT)], sidx)
        pltpu.sync_copy(dst_i.at[pl.ds(base, EPT)], didx)
        for k in range(NR // 16):
            rid[pl.ds(k * 16, 16)] = lax.iota(jnp.int32, 16) + (k * 16)
        plsc.subcore_barrier()

        def step(j, carry):
            d16 = didx[pl.ds(j * 16, 16)]
            vals = plsc.load_gather(
                dinv_v,
                [lax.shift_right_logical(d16, 7),
                 lax.bitwise_and(d16, 127)])
            s16 = sidx[pl.ds(j * 16, 16)]
            plsc.addupdate_scatter(
                loc,
                [lax.shift_right_logical(s16, 7), lax.bitwise_and(s16, 127)],
                vals)
            return carry

        lax.fori_loop(0, EPT // 16, step, 0)
        pltpu.sync_copy(loc, acc.at[rid], add=True)
        plsc.subcore_barrier()

        @pl.when(s < NR // 8)
        def _():
            pltpu.sync_copy(acc.at[pl.ds(s * 8, 8)],
                            out.at[pl.ds(c * NR + s * 8, 8)])

    return cseg


_spmm128 = _make_spmm(False)
_spmm256 = _make_spmm(True)
_degk = _make_deg()
_cseg = _make_cseg()



_BM = 1024


def _tc0_body(x_ref, dega_ref, degb_ref, mask_ref,
              xs_ref, dinv_ref, dinv1_ref):
    deg = dega_ref[...] + degb_ref[...] + 1.0
    dinv = mask_ref[...] * jax.lax.rsqrt(deg)
    xs_ref[...] = x_ref[...] * dinv
    dinv_ref[...] = dinv
    dinv1_ref[...] = dinv[:, 0]


def _tc0(x, dega, degb, mask):
    grid = (NP // _BM,)
    return pl.pallas_call(
        _tc0_body,
        grid=grid,
        in_specs=[
            pl.BlockSpec((_BM, D_IN), lambda i: (i, 0)),
            pl.BlockSpec((_BM, 1), lambda i: (i, 0)),
            pl.BlockSpec((_BM, 1), lambda i: (i, 0)),
            pl.BlockSpec((_BM, 1), lambda i: (i, 0)),
        ],
        out_specs=[
            pl.BlockSpec((_BM, D_IN), lambda i: (i, 0)),
            pl.BlockSpec((_BM, 1), lambda i: (i, 0)),
            pl.BlockSpec((_BM,), lambda i: (i,)),
        ],
        out_shape=[
            jax.ShapeDtypeStruct((NP, D_IN), jnp.float32),
            jax.ShapeDtypeStruct((NP, 1), jnp.float32),
            jax.ShapeDtypeStruct((NP,), jnp.float32),
        ],
    )(x, dega, degb, mask)


def _tc1_body(acc_a, acc_b, xs_ref, dinv_ref, w_ref, b_ref, out_ref):
    acc = acc_a[...] + acc_b[...]
    dinv = dinv_ref[...]
    agg = (acc + xs_ref[...]) * dinv
    h = jnp.maximum(jnp.dot(agg, w_ref[...],
                            preferred_element_type=jnp.float32) + b_ref[...],
                    0.0)
    out_ref[...] = h * dinv


def _tc1(acc_a, acc_b, xs, dinv, W1, b1):
    grid = (NP // _BM,)
    return pl.pallas_call(
        _tc1_body,
        grid=grid,
        in_specs=[
            pl.BlockSpec((_BM, D_IN), lambda i: (i, 0)),
            pl.BlockSpec((_BM, D_IN), lambda i: (i, 0)),
            pl.BlockSpec((_BM, D_IN), lambda i: (i, 0)),
            pl.BlockSpec((_BM, 1), lambda i: (i, 0)),
            pl.BlockSpec((D_IN, D_H), lambda i: (0, 0)),
            pl.BlockSpec((1, D_H), lambda i: (0, 0)),
        ],
        out_specs=pl.BlockSpec((_BM, D_H), lambda i: (i, 0)),
        out_shape=jax.ShapeDtypeStruct((NP, D_H), jnp.float32),
    )(acc_a, acc_b, xs, dinv, W1, b1)


def _tc2_body(acc_a, acc_b, hs_ref, dinv_ref, ca_ref, cb_ref,
              w_ref, b_ref, u_ref):
    i = pl.program_id(0)
    acc = jnp.concatenate([acc_a[...], acc_b[...]], axis=1)
    dinv = dinv_ref[...]
    agg = (acc + hs_ref[...]) * dinv
    h2 = jnp.maximum(jnp.dot(agg, w_ref[...],
                             preferred_element_type=jnp.float32) + b_ref[...],
                     0.0)
    v = dinv * (ca_ref[...] + cb_ref[...] + dinv)
    part = jnp.sum(v * h2, axis=0, keepdims=True)

    @pl.when(i == 0)
    def _():
        u_ref[...] = jnp.zeros_like(u_ref)

    u_ref[0:1, :] += part


def _tc2(acc_a, acc_b, hs1, dinv, ca, cb, W2, b2):
    grid = (NP // _BM,)
    return pl.pallas_call(
        _tc2_body,
        grid=grid,
        in_specs=[
            pl.BlockSpec((_BM, D_H // 2), lambda i: (i, 0)),
            pl.BlockSpec((_BM, D_H // 2), lambda i: (i, 0)),
            pl.BlockSpec((_BM, D_H), lambda i: (i, 0)),
            pl.BlockSpec((_BM, 1), lambda i: (i, 0)),
            pl.BlockSpec((_BM, 1), lambda i: (i, 0)),
            pl.BlockSpec((_BM, 1), lambda i: (i, 0)),
            pl.BlockSpec((D_H, D_H), lambda i: (0, 0)),
            pl.BlockSpec((1, D_H), lambda i: (0, 0)),
        ],
        out_specs=pl.BlockSpec((8, D_H), lambda i: (0, 0)),
        out_shape=jax.ShapeDtypeStruct((8, D_H), jnp.float32),
    )(acc_a, acc_b, hs1, dinv, ca, cb, W2, b2)


def _tc3_body(u_ref, w3_ref, b3_ref, wh_ref, bh_ref, emb_ref, heads_ref):
    emb = jnp.dot(u_ref[...] * (1.0 / N), w3_ref[...],
                  preferred_element_type=jnp.float32) + b3_ref[...]
    emb_ref[...] = emb
    z = jnp.dot(emb, wh_ref[...], preferred_element_type=jnp.float32) \
        + bh_ref[...]
    heads_ref[...] = 1.0 / (1.0 + jnp.exp(-z))


def _tc3(u, W3, b3, Wh, bh):
    return pl.pallas_call(
        _tc3_body,
        out_shape=[
            jax.ShapeDtypeStruct((1, D_OUT), jnp.float32),
            jax.ShapeDtypeStruct((1, 8), jnp.float32),
        ],
    )(u, W3, b3, Wh, bh)



def kernel(x, edge_index, W1, b1, W2, b2, W3, b3, Wl, bl, Wi, bi, Wg, bg):
    f32 = jnp.float32
    src = edge_index[0]
    dst = edge_index[1]
    pad = jnp.full((NE - E,), N, dtype=jnp.int32)
    src_p = jnp.concatenate([src, pad])
    dst_p = jnp.concatenate([dst, pad])

    x_p = jnp.zeros((NP, D_IN), f32).at[:N].set(x)
    mask = jnp.zeros((NP, 1), f32).at[:N].set(1.0)

    zrows_t = jnp.zeros((NR, 128), f32)

    deg2 = _degk(dst_p, zrows_t)
    dega = deg2[:NR].reshape(NP, 1)
    degb = deg2[NR:].reshape(NP, 1)

    xs, dinv, dinv1 = _tc0(x_p, dega, degb, mask)

    c2 = _cseg(dinv1.reshape(NR, 128), src_p, dst_p, zrows_t)
    ca = c2[:NR].reshape(NP, 1)
    cb = c2[NR:].reshape(NP, 1)

    acc1 = _spmm128(xs, src_p, dst_p, jnp.zeros((RPT, D_IN), f32))
    hs1 = _tc1(acc1[:NP], acc1[NP:], xs, dinv, W1, b1.reshape(1, D_H))

    acc2 = _spmm256(hs1.reshape(2 * NP, D_H // 2), src_p, dst_p,
                    jnp.zeros((RPT, D_H // 2), f32))
    u8 = _tc2(acc2[:NP], acc2[NP:], hs1, dinv, ca, cb,
              W2, b2.reshape(1, D_H))

    Wh = jnp.concatenate(
        [Wl, Wi, Wg, jnp.zeros((D_OUT, 5), f32)], axis=1)
    bh = jnp.concatenate(
        [bl, bi, bg, jnp.zeros((5,), f32)]).reshape(1, 8)
    emb, heads = _tc3(u8[0:1], W3, b3.reshape(1, D_OUT), Wh, bh)

    return (emb, heads[:, 0:1], heads[:, 1:2], heads[:, 2:3])

# --- scband reference (transcript-rebuilt; emitter-appended) ---
"""Pipeline reference for scband-career-graph-gnn-38912403702363 (READ-ONLY COPY).

The authoritative reference and input builder live on the scoring server;
editing this copy changes nothing except your own understanding.
"""

import jax, jax.numpy as jnp
import numpy as np

N = 10000
E = 320000
D_IN = 128
D_H = 256
D_OUT = 128


def setup_inputs(seed: int = 0) -> dict:
    key = jax.random.key(seed)
    ks = jax.random.split(key, 16)
    x = jax.random.normal(ks[0], (N, D_IN), dtype=jnp.float32)
    edge_index = jax.random.randint(ks[1], (2, E), 0, N, dtype=jnp.int32)
    def lin(k, fin, fout):
        k1, k2 = jax.random.split(k)
        W = jax.random.normal(k1, (fin, fout), dtype=jnp.float32) / np.sqrt(fin)
        b = jnp.zeros((fout,), dtype=jnp.float32)
        return W, b
    W1, b1 = lin(ks[2], D_IN, D_H)
    W2, b2 = lin(ks[3], D_H, D_H)
    W3, b3 = lin(ks[4], D_H, D_OUT)
    Wl, bl = lin(ks[5], D_OUT, 1)
    Wi, bi = lin(ks[6], D_OUT, 1)
    Wg, bg = lin(ks[7], D_OUT, 1)
    return {"x": x, "edge_index": edge_index, "W1": W1, "b1": b1, "W2": W2, "b2": b2,
            "W3": W3, "b3": b3, "Wl": Wl, "bl": bl, "Wi": Wi, "bi": bi, "Wg": Wg, "bg": bg}


def gcn_conv(x, edge_index, W, b):
    # PyG GCNConv: add self-loops, symmetric normalization D^-1/2 (A+I) D^-1/2 X W + b
    src = edge_index[0]
    dst = edge_index[1]
    loop = jnp.arange(N, dtype=src.dtype)
    src = jnp.concatenate([src, loop])
    dst = jnp.concatenate([dst, loop])
    ones = jnp.ones(src.shape[0], dtype=x.dtype)
    deg = jax.ops.segment_sum(ones, dst, num_segments=N)
    dinv = jnp.where(deg > 0, 1.0 / jnp.sqrt(deg), 0.0)
    norm = dinv[src] * dinv[dst]
    h = x @ W
    msg = h[src] * norm[:, None]
    out = jax.ops.segment_sum(msg, dst, num_segments=N)
    return out + b


def reference(x, edge_index, W1, b1, W2, b2, W3, b3, Wl, bl, Wi, bi, Wg, bg):
    h = jax.nn.relu(gcn_conv(x, edge_index, W1, b1))
    # dropout is identity in eval mode
    h = jax.nn.relu(gcn_conv(h, edge_index, W2, b2))
    h = gcn_conv(h, edge_index, W3, b3)
    emb = jnp.mean(h, axis=0, keepdims=True)
    leadership = jax.nn.sigmoid(emb @ Wl + bl)
    innovation = jax.nn.sigmoid(emb @ Wi + bi)
    growth = jax.nn.sigmoid(emb @ Wg + bg)
    return emb, leadership, innovation, growth

if __name__ == "__main__":
    import jax
    _d = setup_inputs()
    print(jax.jit(kernel)(*tuple(_d.values())))

</pallas_src>

<mosaic_0001>
#map = affine_map<(d0, d1) -> (0, 0)>
#map1 = affine_map<(d0, d1) -> (0)>
module attributes {stable_mosaic.version = 14 : i64} {
  func.func @spmm(%arg0: i32, %arg1: i32, %arg2: memref<10240x128xf32, #tpu.memory_space<hbm>>, %arg3: memref<323584xi32, #tpu.memory_space<hbm>>, %arg4: memref<323584xi32, #tpu.memory_space<hbm>>, %arg5: memref<640x128xf32, #tpu.memory_space<hbm>>, %arg6: memref<20480x128xf32, #tpu.memory_space<hbm>>, %arg7: memref<10240x128xf32, #tpu.memory_space<vmem_shared>>, %arg8: memref<128xi32, #tpu.memory_space<vmem>>, %arg9: memref<128xi32, #tpu.memory_space<vmem>>, %arg10: memref<128x128xf32, #tpu.memory_space<vmem>>, %arg11: memref<!tpu.dma_semaphore, #tpu.memory_space<semaphore_mem>>) attributes {dimension_semantics = [#tpu.dimension_semantics<core_parallel>, #tpu.dimension_semantics<subcore_parallel>], iteration_bounds = array<i64: 2, 16>, scalar_prefetch = 0 : i64, scratch_operands = 5 : i64, tpu.core_type = #tpu.core_type<sc_vector_subcore>, window_params = [{transform_indices = #map}, {transform_indices = #map1}, {transform_indices = #map1}, {transform_indices = #map}, {transform_indices = #map}]} {
    %mul3A = arith.constant 640 : i32
    %mul3A_0 = arith.muli %arg1, %mul3A : i32
    "tpu.region"() ({
      %run_scoped3A = tpu.sem_alloc : memref<!tpu.dma_semaphore, #tpu.memory_space<semaphore_mem>>
      %dma_start3A = arith.constant 0 : i32
      %dma_start3A_18 = tpu.memref_slice %arg7[%mul3A_0, %dma_start3A] : memref<10240x128xf32, #tpu.memory_space<vmem_shared>> -> memref<640x128xf32, #tpu.memory_space<vmem_shared>>
      tpu.enqueue_dma source(%arg5 : memref<640x128xf32, #tpu.memory_space<hbm>>) target(%dma_start3A_18 : memref<640x128xf32, #tpu.memory_space<vmem_shared>>) target_semaphore(%run_scoped3A : memref<!tpu.dma_semaphore, #tpu.memory_space<semaphore_mem>>)
      %dma_wait3A = arith.constant 0 : i32
      %dma_wait3A_19 = tpu.memref_slice %arg7[%mul3A_0, %dma_wait3A] : memref<10240x128xf32, #tpu.memory_space<vmem_shared>> -> memref<640x128xf32, #tpu.memory_space<vmem_shared>>
      tpu.wait_dma2 semaphore(%run_scoped3A : memref<!tpu.dma_semaphore, #tpu.memory_space<semaphore_mem>>) src(%arg5 : memref<640x128xf32, #tpu.memory_space<hbm>>) dst(%dma_wait3A_19 : memref<640x128xf32, #tpu.memory_space<vmem_shared>>)
      tpu.yield
    }) : () -> ()
    %mul3A_1 = arith.constant 16 : i32
    %mul3A_2 = arith.muli %arg0, %mul3A_1 : i32
    %add3A = arith.addi %mul3A_2, %arg1 : i32
    %mul3A_3 = arith.constant 10112 : i32
    %mul3A_4 = arith.muli %add3A, %mul3A_3 : i32
    %barrier3A = arith.constant 0 : index
    tpu.barrier barrier_id(%barrier3A)
    %scan3A = arith.constant 0 : i32
    %scan3A_5 = arith.constant 0 : i32
    %scan3A_6 = arith.constant 79 : i32
    %scan3A_7 = arith.addi %scan3A_5, %scan3A_6 : i32
    %scan3A_8 = arith.constant 1 : i32
    scf.for %scan3A_18 = %scan3A_5 to %scan3A_7 step %scan3A_8  : i32 {
      %mul3A_19 = arith.constant 128 : i32
      %mul3A_20 = arith.muli %scan3A_18, %mul3A_19 : i32
      %add3A_21 = arith.addi %mul3A_4, %mul3A_20 : i32
      "tpu.region"() ({
        %run_scoped3A = tpu.sem_alloc : memref<!tpu.dma_semaphore, #tpu.memory_space<semaphore_mem>>
        %dma_start3A_26 = tpu.memref_slice %arg3[%add3A_21] : memref<323584xi32, #tpu.memory_space<hbm>> -> memref<128xi32, #tpu.memory_space<hbm>>
        %dma_start3A_27 = tpu.memref_slice %arg3[%add3A_21] : memref<323584xi32, #tpu.memory_space<hbm>> -> memref<128xi32, #tpu.memory_space<hbm>>
        tpu.enqueue_dma source(%dma_start3A_27 : memref<128xi32, #tpu.memory_space<hbm>>) target(%arg8 : memref<128xi32, #tpu.memory_space<vmem>>) target_semaphore(%run_scoped3A : memref<!tpu.dma_semaphore, #tpu.memory_space<semaphore_mem>>)
        %dma_wait3A_28 = tpu.memref_slice %arg3[%add3A_21] : memref<323584xi32, #tpu.memory_space<hbm>> -> memref<128xi32, #tpu.memory_space<hbm>>
        %dma_wait3A_29 = tpu.memref_slice %arg3[%add3A_21] : memref<323584xi32, #tpu.memory_space<hbm>> -> memref<128xi32, #tpu.memory_space<hbm>>
        tpu.wait_dma2 semaphore(%run_scoped3A : memref<!tpu.dma_semaphore, #tpu.memory_space<semaphore_mem>>) src(%dma_wait3A_29 : memref<128xi32, #tpu.memory_space<hbm>>) dst(%arg8 : memref<128xi32, #tpu.memory_space<vmem>>)
        tpu.yield
      }) : () -> ()
      "tpu.region"() ({
        %run_scoped3A = tpu.sem_alloc : memref<!tpu.dma_semaphore, #tpu.memory_space<semaphore_mem>>
        %dma_start3A_26 = tpu.memref_slice %arg4[%add3A_21] : memref<323584xi32, #tpu.memory_space<hbm>> -> memref<128xi32, #tpu.memory_space<hbm>>
        %dma_start3A_27 = tpu.memref_slice %arg4[%add3A_21] : memref<323584xi32, #tpu.memory_space<hbm>> -> memref<128xi32, #tpu.memory_space<hbm>>
        tpu.enqueue_dma source(%dma_start3A_27 : memref<128xi32, #tpu.memory_space<hbm>>) target(%arg9 : memref<128xi32, #tpu.memory_space<vmem>>) target_semaphore(%run_scoped3A : memref<!tpu.dma_semaphore, #tpu.memory_space<semaphore_mem>>)
        %dma_wait3A_28 = tpu.memref_slice %arg4[%add3A_21] : memref<323584xi32, #tpu.memory_space<hbm>> -> memref<128xi32, #tpu.memory_space<hbm>>
        %dma_wait3A_29 = tpu.memref_slice %arg4[%add3A_21] : memref<323584xi32, #tpu.memory_space<hbm>> -> memref<128xi32, #tpu.memory_space<hbm>>
        tpu.wait_dma2 semaphore(%run_scoped3A : memref<!tpu.dma_semaphore, #tpu.memory_space<semaphore_mem>>) src(%dma_wait3A_29 : memref<128xi32, #tpu.memory_space<hbm>>) dst(%arg9 : memref<128xi32, #tpu.memory_space<vmem>>)
        tpu.yield
      }) : () -> ()
      %dma_start3A = arith.constant 0 : i32
      %dma_start3A_22 = arith.constant 0 : i32
      %dma_start3A_23 = tpu.memref_slice %arg2[%dma_start3A, %dma_start3A_22] : memref<10240x128xf32, #tpu.memory_space<hbm>> -> memref<10240x128xf32, #tpu.memory_space<hbm>>
      tpu.enqueue_indirect_dma source(%dma_start3A_23 : memref<10240x128xf32, #tpu.memory_space<hbm>>) target(%arg10 : memref<128x128xf32, #tpu.memory_space<vmem>>) offsets(%arg8 : memref<128xi32, #tpu.memory_space<vmem>>) semaphore(%arg11 : memref<!tpu.dma_semaphore, #tpu.memory_space<semaphore_mem>>)
      %dma_wait3A = arith.constant 0 : i32
      %dma_wait3A_24 = arith.constant 0 : i32
      %dma_wait3A_25 = tpu.memref_slice %arg2[%dma_wait3A, %dma_wait3A_24] : memref<10240x128xf32, #tpu.memory_space<hbm>> -> memref<10240x128xf32, #tpu.memory_space<hbm>>
      tpu.wait_indirect_dma semaphore(%arg11 : memref<!tpu.dma_semaphore, #tpu.memory_space<semaphore_mem>>) src(%dma_wait3A_25 : memref<10240x128xf32, #tpu.memory_space<hbm>>) dst(%arg10 : memref<128x128xf32, #tpu.memory_space<vmem>>)
      "tpu.region"() ({
        %run_scoped3A = tpu.sem_alloc : memref<!tpu.dma_semaphore, #tpu.memory_space<semaphore_mem>>
        %dma_start3A_26 = arith.constant 0 : i32
        %dma_start3A_27 = arith.constant 0 : i32
        %dma_start3A_28 = tpu.memref_slice %arg7[%dma_start3A_26, %dma_start3A_27] : memref<10240x128xf32, #tpu.memory_space<vmem_shared>> -> memref<10240x128xf32, #tpu.memory_space<vmem_shared>>
        tpu.enqueue_indirect_dma source(%arg10 : memref<128x128xf32, #tpu.memory_space<vmem>>) target(%dma_start3A_28 : memref<10240x128xf32, #tpu.memory_space<vmem_shared>>) offsets(%arg9 : memref<128xi32, #tpu.memory_space<vmem>>) semaphore(%run_scoped3A : memref<!tpu.dma_semaphore, #tpu.memory_space<semaphore_mem>>) {add = true}
        %dma_wait3A_29 = arith.constant 0 : i32
        %dma_wait3A_30 = arith.constant 0 : i32
        %dma_wait3A_31 = tpu.memref_slice %arg7[%dma_wait3A_29, %dma_wait3A_30] : memref<10240x128xf32, #tpu.memory_space<vmem_shared>> -> memref<10240x128xf32, #tpu.memory_space<vmem_shared>>
        tpu.wait_indirect_dma semaphore(%run_scoped3A : memref<!tpu.dma_semaphore, #tpu.memory_space<semaphore_mem>>) src(%arg10 : memref<128x128xf32, #tpu.memory_space<vmem>>) dst(%dma_wait3A_31 : memref<10240x128xf32, #tpu.memory_space<vmem_shared>>)
        tpu.yield
      }) : () -> ()
    }
    %scan3A_9 = arith.constant 79 : i32
    %barrier3A_10 = arith.constant 0 : index
    tpu.barrier barrier_id(%barrier3A_10)
    %mul3A_11 = arith.constant 640 : i32
    %mul3A_12 = arith.muli %arg1, %mul3A_11 : i32
    %mul3A_13 = arith.constant 10240 : i32
    %mul3A_14 = arith.muli %arg0, %mul3A_13 : i32
    %mul3A_15 = arith.constant 640 : i32
    %mul3A_16 = arith.muli %arg1, %mul3A_15 : i32
    %add3A_17 = arith.addi %mul3A_14, %mul3A_16 : i32
    "tpu.region"() ({
      %run_scoped3A = tpu.sem_alloc : memref<!tpu.dma_semaphore, #tpu.memory_space<semaphore_mem>>
      %dma_start3A = arith.constant 0 : i32
      %dma_start3A_18 = tpu.memref_slice %arg6[%add3A_17, %dma_start3A] : memref<20480x128xf32, #tpu.memory_space<hbm>> -> memref<640x128xf32, #tpu.memory_space<hbm>>
      %dma_start3A_19 = arith.constant 0 : i32
      %dma_start3A_20 = tpu.memref_slice %arg7[%mul3A_12, %dma_start3A_19] : memref<10240x128xf32, #tpu.memory_space<vmem_shared>> -> memref<640x128xf32, #tpu.memory_space<vmem_shared>>
      tpu.enqueue_dma source(%dma_start3A_20 : memref<640x128xf32, #tpu.memory_space<vmem_shared>>) target(%dma_start3A_18 : memref<640x128xf32, #tpu.memory_space<hbm>>) target_semaphore(%run_scoped3A : memref<!tpu.dma_semaphore, #tpu.memory_space<semaphore_mem>>)
      %dma_wait3A = arith.constant 0 : i32
      %dma_wait3A_21 = tpu.memref_slice %arg6[%add3A_17, %dma_wait3A] : memref<20480x128xf32, #tpu.memory_space<hbm>> -> memref<640x128xf32, #tpu.memory_space<hbm>>
      %dma_wait3A_22 = arith.constant 0 : i32
      %dma_wait3A_23 = tpu.memref_slice %arg7[%mul3A_12, %dma_wait3A_22] : memref<10240x128xf32, #tpu.memory_space<vmem_shared>> -> memref<640x128xf32, #tpu.memory_space<vmem_shared>>
      tpu.wait_dma2 semaphore(%run_scoped3A : memref<!tpu.dma_semaphore, #tpu.memory_space<semaphore_mem>>) src(%dma_wait3A_23 : memref<640x128xf32, #tpu.memory_space<vmem_shared>>) dst(%dma_wait3A_21 : memref<640x128xf32, #tpu.memory_space<hbm>>)
      tpu.yield
    }) : () -> ()
    return
  }
}

#map = affine_map<(d0, d1) -> (0)>
#map1 = affine_map<(d0, d1) -> (0, 0)>
module attributes {stable_mosaic.version = 14 : i64} {
  func.func @degk(%arg0: i32, %arg1: i32, %arg2: memref<323584xi32, #tpu.memory_space<hbm>>, %arg3: memref<80x128xf32, #tpu.memory_space<hbm>>, %arg4: memref<160x128xf32, #tpu.memory_space<hbm>>, %arg5: memref<80x128xf32, #tpu.memory_space<vmem_shared>>, %arg6: memref<80x128xf32, #tpu.memory_space<vmem>>, %arg7: memref<10112xi32, #tpu.memory_space<vmem>>, %arg8: memref<80xi32, #tpu.memory_space<vmem>>) attributes {dimension_semantics = [#tpu.dimension_semantics<core_parallel>, #tpu.dimension_semantics<subcore_parallel>], iteration_bounds = array<i64: 2, 16>, scalar_prefetch = 0 : i64, scratch_operands = 4 : i64, tpu.core_type = #tpu.core_type<sc_vector_subcore>, window_params = [{transform_indices = #map}, {transform_indices = #map1}, {transform_indices = #map1}]} {
    "tpu.region"() ({
      %run_scoped3A = tpu.sem_alloc : memref<!tpu.dma_semaphore, #tpu.memory_space<semaphore_mem>>
      %dma_start3A = arith.constant 0 : i32
      %dma_start3A_40 = arith.constant 0 : i32
      %dma_start3A_41 = tpu.memref_slice %arg5[%dma_start3A, %dma_start3A_40] : memref<80x128xf32, #tpu.memory_space<vmem_shared>> -> memref<80x128xf32, #tpu.memory_space<vmem_shared>>
      tpu.enqueue_dma source(%arg3 : memref<80x128xf32, #tpu.memory_space<hbm>>) target(%dma_start3A_41 : memref<80x128xf32, #tpu.memory_space<vmem_shared>>) target_semaphore(%run_scoped3A : memref<!tpu.dma_semaphore, #tpu.memory_space<semaphore_mem>>)
      %dma_wait3A = arith.constant 0 : i32
      %dma_wait3A_42 = arith.constant 0 : i32
      %dma_wait3A_43 = tpu.memref_slice %arg5[%dma_wait3A, %dma_wait3A_42] : memref<80x128xf32, #tpu.memory_space<vmem_shared>> -> memref<80x128xf32, #tpu.memory_space<vmem_shared>>
      tpu.wait_dma2 semaphore(%run_scoped3A : memref<!tpu.dma_semaphore, #tpu.memory_space<semaphore_mem>>) src(%arg3 : memref<80x128xf32, #tpu.memory_space<hbm>>) dst(%dma_wait3A_43 : memref<80x128xf32, #tpu.memory_space<vmem_shared>>)
      tpu.yield
    }) : () -> ()
    "tpu.region"() ({
      %run_scoped3A = tpu.sem_alloc : memref<!tpu.dma_semaphore, #tpu.memory_space<semaphore_mem>>
      tpu.enqueue_dma source(%arg3 : memref<80x128xf32, #tpu.memory_space<hbm>>) target(%arg6 : memref<80x128xf32, #tpu.memory_space<vmem>>) target_semaphore(%run_scoped3A : memref<!tpu.dma_semaphore, #tpu.memory_space<semaphore_mem>>)
      tpu.wait_dma2 semaphore(%run_scoped3A : memref<!tpu.dma_semaphore, #tpu.memory_space<semaphore_mem>>) src(%arg3 : memref<80x128xf32, #tpu.memory_space<hbm>>) dst(%arg6 : memref<80x128xf32, #tpu.memory_space<vmem>>)
      tpu.yield
    }) : () -> ()
    %mul3A = arith.constant 16 : i32
    %mul3A_0 = arith.muli %arg0, %mul3A : i32
    %add3A = arith.addi %mul3A_0, %arg1 : i32
    %mul3A_1 = arith.constant 10112 : i32
    %mul3A_2 = arith.muli %add3A, %mul3A_1 : i32
    "tpu.region"() ({
      %run_scoped3A = tpu.sem_alloc : memref<!tpu.dma_semaphore, #tpu.memory_space<semaphore_mem>>
      %dma_start3A = tpu.memref_slice %arg2[%mul3A_2] : memref<323584xi32, #tpu.memory_space<hbm>> -> memref<10112xi32, #tpu.memory_space<hbm>>
      %dma_start3A_40 = tpu.memref_slice %arg2[%mul3A_2] : memref<323584xi32, #tpu.memory_space<hbm>> -> memref<10112xi32, #tpu.memory_space<hbm>>
      tpu.enqueue_dma source(%dma_start3A_40 : memref<10112xi32, #tpu.memory_space<hbm>>) target(%arg7 : memref<10112xi32, #tpu.memory_space<vmem>>) target_semaphore(%run_scoped3A : memref<!tpu.dma_semaphore, #tpu.memory_space<semaphore_mem>>)
      %dma_wait3A = tpu.memref_slice %arg2[%mul3A_2] : memref<323584xi32, #tpu.memory_space<hbm>> -> memref<10112xi32, #tpu.memory_space<hbm>>
      %dma_wait3A_41 = tpu.memref_slice %arg2[%mul3A_2] : memref<323584xi32, #tpu.memory_space<hbm>> -> memref<10112xi32, #tpu.memory_space<hbm>>
      tpu.wait_dma2 semaphore(%run_scoped3A : memref<!tpu.dma_semaphore, #tpu.memory_space<semaphore_mem>>) src(%dma_wait3A_41 : memref<10112xi32, #tpu.memory_space<hbm>>) dst(%arg7 : memref<10112xi32, #tpu.memory_space<vmem>>)
      tpu.yield
    }) : () -> ()
    %iota3A = tpu.iota {dimensions = array<i32: 0>} : vector<16xi32>
    %add3A_3 = arith.constant 0 : i32
    %add3A_4 = vector.broadcast %add3A_3 : i32 to vector<16xi32>
    %add3A_5 = arith.addi %iota3A, %add3A_4 : vector<16xi32>
    %swap3A = arith.constant 0 : index
    %swap3A_6 = tpu.vector_load %arg8[%swap3A] {strides = array<i32>} : memref<80xi32, #tpu.memory_space<vmem>>, vector<16xi32>,
    tpu.vector_store %arg8[%swap3A], %add3A_5 {strides = array<i32>} : memref<80xi32, #tpu.memory_space<vmem>>, vector<16xi32>,
    %iota3A_7 = tpu.iota {dimensions = array<i32: 0>} : vector<16xi32>
    %add3A_8 = arith.constant 16 : i32
    %add3A_9 = vector.broadcast %add3A_8 : i32 to vector<16xi32>
    %add3A_10 = arith.addi %iota3A_7, %add3A_9 : vector<16xi32>
    %swap3A_11 = arith.constant 16 : index
    %swap3A_12 = tpu.vector_load %arg8[%swap3A_11] {strides = array<i32>} : memref<80xi32, #tpu.memory_space<vmem>>, vector<16xi32>,
    tpu.vector_store %arg8[%swap3A_11], %add3A_10 {strides = array<i32>} : memref<80xi32, #tpu.memory_space<vmem>>, vector<16xi32>,
    %iota3A_13 = tpu.iota {dimensions = array<i32: 0>} : vector<16xi32>
    %add3A_14 = arith.constant 32 : i32
    %add3A_15 = vector.broadcast %add3A_14 : i32 to vector<16xi32>
    %add3A_16 = arith.addi %iota3A_13, %add3A_15 : vector<16xi32>
    %swap3A_17 = arith.constant 32 : index
    %swap3A_18 = tpu.vector_load %arg8[%swap3A_17] {strides = array<i32>} : memref<80xi32, #tpu.memory_space<vmem>>, vector<16xi32>,
    tpu.vector_store %arg8[%swap3A_17], %add3A_16 {strides = array<i32>} : memref<80xi32, #tpu.memory_space<vmem>>, vector<16xi32>,
    %iota3A_19 = tpu.iota {dimensions = array<i32: 0>} : vector<16xi32>
    %add3A_20 = arith.constant 48 : i32
    %add3A_21 = vector.broadcast %add3A_20 : i32 to vector<16xi32>
    %add3A_22 = arith.addi %iota3A_19, %add3A_21 : vector<16xi32>
    %swap3A_23 = arith.constant 48 : index
    %swap3A_24 = tpu.vector_load %arg8[%swap3A_23] {strides = array<i32>} : memref<80xi32, #tpu.memory_space<vmem>>, vector<16xi32>,
    tpu.vector_store %arg8[%swap3A_23], %add3A_22 {strides = array<i32>} : memref<80xi32, #tpu.memory_space<vmem>>, vector<16xi32>,
    %iota3A_25 = tpu.iota {dimensions = array<i32: 0>} : vector<16xi32>
    %add3A_26 = arith.constant 64 : i32
    %add3A_27 = vector.broadcast %add3A_26 : i32 to vector<16xi32>
    %add3A_28 = arith.addi %iota3A_25, %add3A_27 : vector<16xi32>
    %swap3A_29 = arith.constant 64 : index
    %swap3A_30 = tpu.vector_load %arg8[%swap3A_29] {strides = array<i32>} : memref<80xi32, #tpu.memory_space<vmem>>, vector<16xi32>,
    tpu.vector_store %arg8[%swap3A_29], %add3A_28 {strides = array<i32>} : memref<80xi32, #tpu.memory_space<vmem>>, vector<16xi32>,
    %barrier3A = arith.constant 0 : index
    tpu.barrier barrier_id(%barrier3A)
    %broadcast_in_dim3A = arith.constant 1.000000e+00 : f32
    %broadcast_in_dim3A_31 = vector.broadcast %broadcast_in_dim3A : f32 to vector<16xf32>
    %scan3A = arith.constant 0 : i32
    %scan3A_32 = arith.constant 0 : i32
    %scan3A_33 = arith.constant 632 : i32
    %scan3A_34 = arith.addi %scan3A_32, %scan3A_33 : i32
    %scan3A_35 = arith.constant 1 : i32
    scf.for %scan3A_40 = %scan3A_32 to %scan3A_34 step %scan3A_35  : i32 {
      %mul3A_41 = arith.constant 16 : i32
      %mul3A_42 = arith.muli %scan3A_40, %mul3A_41 : i32
      %get3A = arith.index_cast %mul3A_42 : i32 to index
      %get3A_43 = tpu.vector_load %arg7[%get3A] {strides = array<i32>} : memref<10112xi32, #tpu.memory_space<vmem>>, vector<16xi32>,
      %shift_right_logical3A = arith.constant 7 : i32
      %shift_right_logical3A_44 = vector.broadcast %shift_right_logical3A : i32 to vector<16xi32>
      %shift_right_logical3A_45 = arith.shrui %get3A_43, %shift_right_logical3A_44 : vector<16xi32>
      %and3A = arith.constant 127 : i32
      %and3A_46 = vector.broadcast %and3A : i32 to vector<16xi32>
      %and3A_47 = arith.andi %get3A_43, %and3A_46 : vector<16xi32>
      tpu.vector_store_idx %arg6[%shift_right_logical3A_45, %and3A_47], %broadcast_in_dim3A_31 {add = true} : memref<80x128xf32, #tpu.memory_space<vmem>>[vector<16xi32>, vector<16xi32>], vector<16xf32>,
    }
    %scan3A_36 = arith.constant 632 : i32
    "tpu.region"() ({
      %run_scoped3A = tpu.sem_alloc : memref<!tpu.dma_semaphore, #tpu.memory_space<semaphore_mem>>
      %dma_start3A = arith.constant 0 : i32
      %dma_start3A_40 = arith.constant 0 : i32
      %dma_start3A_41 = tpu.memref_slice %arg5[%dma_start3A, %dma_start3A_40] : memref<80x128xf32, #tpu.memory_space<vmem_shared>> -> memref<80x128xf32, #tpu.memory_space<vmem_shared>>
      tpu.enqueue_indirect_dma source(%arg6 : memref<80x128xf32, #tpu.memory_space<vmem>>) target(%dma_start3A_41 : memref<80x128xf32, #tpu.memory_space<vmem_shared>>) offsets(%arg8 : memref<80xi32, #tpu.memory_space<vmem>>) semaphore(%run_scoped3A : memref<!tpu.dma_semaphore, #tpu.memory_space<semaphore_mem>>) {add = true}
      %dma_wait3A = arith.constant 0 : i32
      %dma_wait3A_42 = arith.constant 0 : i32
      %dma_wait3A_43 = tpu.memref_slice %arg5[%dma_wait3A, %dma_wait3A_42] : memref<80x128xf32, #tpu.memory_space<vmem_shared>> -> memref<80x128xf32, #tpu.memory_space<vmem_shared>>
      tpu.wait_indirect_dma semaphore(%run_scoped3A : memref<!tpu.dma_semaphore, #tpu.memory_space<semaphore_mem>>) src(%arg6 : memref<80x128xf32, #tpu.memory_space<vmem>>) dst(%dma_wait3A_43 : memref<80x128xf32, #tpu.memory_space<vmem_shared>>)
      tpu.yield
    }) : () -> ()
    %barrier3A_37 = arith.constant 0 : index
    tpu.barrier barrier_id(%barrier3A_37)
    %lt3A = arith.constant 10 : i32
    %lt3A_38 = arith.cmpi slt, %arg1, %lt3A : i32
    %convert_element_type3A = arith.extui %lt3A_38 : i1 to i32
    %cond3A = arith.constant 0 : i32
    %cond3A_39 = arith.cmpi ne, %convert_element_type3A, %cond3A : i32
    scf.if %cond3A_39 {
      %mul3A_40 = arith.constant 8 : i32
      %mul3A_41 = arith.muli %arg1, %mul3A_40 : i32
      %mul3A_42 = arith.constant 80 : i32
      %mul3A_43 = arith.muli %arg0, %mul3A_42 : i32
      %mul3A_44 = arith.constant 8 : i32
      %mul3A_45 = arith.muli %arg1, %mul3A_44 : i32
      %add3A_46 = arith.addi %mul3A_43, %mul3A_45 : i32
      "tpu.region"() ({
        %run_scoped3A = tpu.sem_alloc : memref<!tpu.dma_semaphore, #tpu.memory_space<semaphore_mem>>
        %dma_start3A = arith.constant 0 : i32
        %dma_start3A_47 = tpu.memref_slice %arg4[%add3A_46, %dma_start3A] : memref<160x128xf32, #tpu.memory_space<hbm>> -> memref<8x128xf32, #tpu.memory_space<hbm>>
        %dma_start3A_48 = arith.constant 0 : i32
        %dma_start3A_49 = tpu.memref_slice %arg5[%mul3A_41, %dma_start3A_48] : memref<80x128xf32, #tpu.memory_space<vmem_shared>> -> memref<8x128xf32, #tpu.memory_space<vmem_shared>>
        tpu.enqueue_dma source(%dma_start3A_49 : memref<8x128xf32, #tpu.memory_space<vmem_shared>>) target(%dma_start3A_47 : memref<8x128xf32, #tpu.memory_space<hbm>>) target_semaphore(%run_scoped3A : memref<!tpu.dma_semaphore, #tpu.memory_space<semaphore_mem>>)
        %dma_wait3A = arith.constant 0 : i32
        %dma_wait3A_50 = tpu.memref_slice %arg4[%add3A_46, %dma_wait3A] : memref<160x128xf32, #tpu.memory_space<hbm>> -> memref<8x128xf32, #tpu.memory_space<hbm>>
        %dma_wait3A_51 = arith.constant 0 : i32
        %dma_wait3A_52 = tpu.memref_slice %arg5[%mul3A_41, %dma_wait3A_51] : memref<80x128xf32, #tpu.memory_space<vmem_shared>> -> memref<8x128xf32, #tpu.memory_space<vmem_shared>>
        tpu.wait_dma2 semaphore(%run_scoped3A : memref<!tpu.dma_semaphore, #tpu.memory_space<semaphore_mem>>) src(%dma_wait3A_52 : memref<8x128xf32, #tpu.memory_space<vmem_shared>>) dst(%dma_wait3A_50 : memref<8x128xf32, #tpu.memory_space<hbm>>)
        tpu.yield
      }) : () -> ()
    } else {
    }
    return
  }
}

#map = affine_map<(d0, d1) -> (0, 0)>
#map1 = affine_map<(d0, d1) -> (0)>
module attributes {stable_mosaic.version = 14 : i64} {
  func.func @spmm(%arg0: i32, %arg1: i32, %arg2: memref<20480x128xf32, #tpu.memory_space<hbm>>, %arg3: memref<323584xi32, #tpu.memory_space<hbm>>, %arg4: memref<323584xi32, #tpu.memory_space<hbm>>, %arg5: memref<640x128xf32, #tpu.memory_space<hbm>>, %arg6: memref<20480x128xf32, #tpu.memory_space<hbm>>, %arg7: memref<10240x128xf32, #tpu.memory_space<vmem_shared>>, %arg8: memref<128xi32, #tpu.memory_space<vmem>>, %arg9: memref<128xi32, #tpu.memory_space<vmem>>, %arg10: memref<128x128xf32, #tpu.memory_space<vmem>>, %arg11: memref<!tpu.dma_semaphore, #tpu.memory_space<semaphore_mem>>) attributes {dimension_semantics = [#tpu.dimension_semantics<core_parallel>, #tpu.dimension_semantics<subcore_parallel>], iteration_bounds = array<i64: 2, 16>, scalar_prefetch = 0 : i64, scratch_operands = 5 : i64, tpu.core_type = #tpu.core_type<sc_vector_subcore>, window_params = [{transform_indices = #map}, {transform_indices = #map1}, {transform_indices = #map1}, {transform_indices = #map}, {transform_indices = #map}]} {
    %mul3A = arith.constant 640 : i32
    %mul3A_0 = arith.muli %arg1, %mul3A : i32
    "tpu.region"() ({
      %run_scoped3A = tpu.sem_alloc : memref<!tpu.dma_semaphore, #tpu.memory_space<semaphore_mem>>
      %dma_start3A = arith.constant 0 : i32
      %dma_start3A_15 = tpu.memref_slice %arg7[%mul3A_0, %dma_start3A] : memref<10240x128xf32, #tpu.memory_space<vmem_shared>> -> memref<640x128xf32, #tpu.memory_space<vmem_shared>>
      tpu.enqueue_dma source(%arg5 : memref<640x128xf32, #tpu.memory_space<hbm>>) target(%dma_start3A_15 : memref<640x128xf32, #tpu.memory_space<vmem_shared>>) target_semaphore(%run_scoped3A : memref<!tpu.dma_semaphore, #tpu.memory_space<semaphore_mem>>)
      %dma_wait3A = arith.constant 0 : i32
      %dma_wait3A_16 = tpu.memref_slice %arg7[%mul3A_0, %dma_wait3A] : memref<10240x128xf32, #tpu.memory_space<vmem_shared>> -> memref<640x128xf32, #tpu.memory_space<vmem_shared>>
      tpu.wait_dma2 semaphore(%run_scoped3A : memref<!tpu.dma_semaphore, #tpu.memory_space<semaphore_mem>>) src(%arg5 : memref<640x128xf32, #tpu.memory_space<hbm>>) dst(%dma_wait3A_16 : memref<640x128xf32, #tpu.memory_space<vmem_shared>>)
      tpu.yield
    }) : () -> ()
    %mul3A_1 = arith.constant 20224 : i32
    %mul3A_2 = arith.muli %arg1, %mul3A_1 : i32
    %barrier3A = arith.constant 0 : index
    tpu.barrier barrier_id(%barrier3A)
    %scan3A = arith.constant 0 : i32
    %scan3A_3 = arith.constant 0 : i32
    %scan3A_4 = arith.constant 158 : i32
    %scan3A_5 = arith.addi %scan3A_3, %scan3A_4 : i32
    %scan3A_6 = arith.constant 1 : i32
    scf.for %scan3A_15 = %scan3A_3 to %scan3A_5 step %scan3A_6  : i32 {
      %mul3A_16 = arith.constant 128 : i32
      %mul3A_17 = arith.muli %scan3A_15, %mul3A_16 : i32
      %add3A_18 = arith.addi %mul3A_2, %mul3A_17 : i32
      "tpu.region"() ({
        %run_scoped3A = tpu.sem_alloc : memref<!tpu.dma_semaphore, #tpu.memory_space<semaphore_mem>>
        %dma_start3A_117 = tpu.memref_slice %arg3[%add3A_18] : memref<323584xi32, #tpu.memory_space<hbm>> -> memref<128xi32, #tpu.memory_space<hbm>>
        %dma_start3A_118 = tpu.memref_slice %arg3[%add3A_18] : memref<323584xi32, #tpu.memory_space<hbm>> -> memref<128xi32, #tpu.memory_space<hbm>>
        tpu.enqueue_dma source(%dma_start3A_118 : memref<128xi32, #tpu.memory_space<hbm>>) target(%arg8 : memref<128xi32, #tpu.memory_space<vmem>>) target_semaphore(%run_scoped3A : memref<!tpu.dma_semaphore, #tpu.memory_space<semaphore_mem>>)
        %dma_wait3A_119 = tpu.memref_slice %arg3[%add3A_18] : memref<323584xi32, #tpu.memory_space<hbm>> -> memref<128xi32, #tpu.memory_space<hbm>>
        %dma_wait3A_120 = tpu.memref_slice %arg3[%add3A_18] : memref<323584xi32, #tpu.memory_space<hbm>> -> memref<128xi32, #tpu.memory_space<hbm>>
        tpu.wait_dma2 semaphore(%run_scoped3A : memref<!tpu.dma_semaphore, #tpu.memory_space<semaphore_mem>>) src(%dma_wait3A_120 : memref<128xi32, #tpu.memory_space<hbm>>) dst(%arg8 : memref<128xi32, #tpu.memory_space<vmem>>)
        tpu.yield
      }) : () -> ()
      "tpu.region"() ({
        %run_scoped3A = tpu.sem_alloc : memref<!tpu.dma_semaphore, #tpu.memory_space<semaphore_mem>>
        %dma_start3A_117 = tpu.memref_slice %arg4[%add3A_18] : memref<323584xi32, #tpu.memory_space<hbm>> -> memref<128xi32, #tpu.memory_space<hbm>>
        %dma_start3A_118 = tpu.memref_slice %arg4[%add3A_18] : memref<323584xi32, #tpu.memory_space<hbm>> -> memref<128xi32, #tpu.memory_space<hbm>>
        tpu.enqueue_dma source(%dma_start3A_118 : memref<128xi32, #tpu.memory_space<hbm>>) target(%arg9 : memref<128xi32, #tpu.memory_space<vmem>>) target_semaphore(%run_scoped3A : memref<!tpu.dma_semaphore, #tpu.memory_space<semaphore_mem>>)
        %dma_wait3A_119 = tpu.memref_slice %arg4[%add3A_18] : memref<323584xi32, #tpu.memory_space<hbm>> -> memref<128xi32, #tpu.memory_space<hbm>>
        %dma_wait3A_120 = tpu.memref_slice %arg4[%add3A_18] : memref<323584xi32, #tpu.memory_space<hbm>> -> memref<128xi32, #tpu.memory_space<hbm>>
        tpu.wait_dma2 semaphore(%run_scoped3A : memref<!tpu.dma_semaphore, #tpu.memory_space<semaphore_mem>>) src(%dma_wait3A_120 : memref<128xi32, #tpu.memory_space<hbm>>) dst(%arg9 : memref<128xi32, #tpu.memory_space<vmem>>)
        tpu.yield
      }) : () -> ()
      %get3A = arith.constant 0 : index
      %get3A_19 = tpu.vector_load %arg8[%get3A] {strides = array<i32>} : memref<128xi32, #tpu.memory_space<vmem>>, vector<16xi32>,
      %get3A_20 = vector.shape_cast %get3A_19 : vector<16xi32> to vector<16xi32>
      %mul3A_21 = arith.constant 2 : i32
      %mul3A_22 = vector.broadcast %mul3A_21 : i32 to vector<16xi32>
      %mul3A_23 = arith.muli %get3A_20, %mul3A_22 : vector<16xi32>
      %add3A_24 = vector.broadcast %arg0 : i32 to vector<16xi32>
      %add3A_25 = arith.addi %mul3A_23, %add3A_24 : vector<16xi32>
      %swap3A = arith.constant 0 : index
      %swap3A_26 = tpu.vector_load %arg8[%swap3A] {strides = array<i32>} : memref<128xi32, #tpu.memory_space<vmem>>, vector<16xi32>,
      %swap3A_27 = vector.shape_cast %swap3A_26 : vector<16xi32> to vector<16xi32>
      %swap3A_28 = vector.shape_cast %add3A_25 : vector<16xi32> to vector<16xi32>
      tpu.vector_store %arg8[%swap3A], %swap3A_28 {strides = array<i32>} : memref<128xi32, #tpu.memory_space<vmem>>, vector<16xi32>,
      %get3A_29 = arith.constant 16 : index
      %get3A_30 = tpu.vector_load %arg8[%get3A_29] {strides = array<i32>} : memref<128xi32, #tpu.memory_space<vmem>>, vector<16xi32>,
      %get3A_31 = vector.shape_cast %get3A_30 : vector<16xi32> to vector<16xi32>
      %mul3A_32 = arith.constant 2 : i32
      %mul3A_33 = vector.broadcast %mul3A_32 : i32 to vector<16xi32>
      %mul3A_34 = arith.muli %get3A_31, %mul3A_33 : vector<16xi32>
      %add3A_35 = vector.broadcast %arg0 : i32 to vector<16xi32>
      %add3A_36 = arith.addi %mul3A_34, %add3A_35 : vector<16xi32>
      %swap3A_37 = arith.constant 16 : index
      %swap3A_38 = tpu.vector_load %arg8[%swap3A_37] {strides = array<i32>} : memref<128xi32, #tpu.memory_space<vmem>>, vector<16xi32>,
      %swap3A_39 = vector.shape_cast %swap3A_38 : vector<16xi32> to vector<16xi32>
      %swap3A_40 = vector.shape_cast %add3A_36 : vector<16xi32> to vector<16xi32>
      tpu.vector_store %arg8[%swap3A_37], %swap3A_40 {strides = array<i32>} : memref<128xi32, #tpu.memory_space<vmem>>, vector<16xi32>,
      %get3A_41 = arith.constant 32 : index
      %get3A_42 = tpu.vector_load %arg8[%get3A_41] {strides = array<i32>} : memref<128xi32, #tpu.memory_space<vmem>>, vector<16xi32>,
      %get3A_43 = vector.shape_cast %get3A_42 : vector<16xi32> to vector<16xi32>
      %mul3A_44 = arith.constant 2 : i32
      %mul3A_45 = vector.broadcast %mul3A_44 : i32 to vector<16xi32>
      %mul3A_46 = arith.muli %get3A_43, %mul3A_45 : vector<16xi32>
      %add3A_47 = vector.broadcast %arg0 : i32 to vector<16xi32>
      %add3A_48 = arith.addi %mul3A_46, %add3A_47 : vector<16xi32>
      %swap3A_49 = arith.constant 32 : index
      %swap3A_50 = tpu.vector_load %arg8[%swap3A_49] {strides = array<i32>} : memref<128xi32, #tpu.memory_space<vmem>>, vector<16xi32>,
      %swap3A_51 = vector.shape_cast %swap3A_50 : vector<16xi32> to vector<16xi32>
      %swap3A_52 = vector.shape_cast %add3A_48 : vector<16xi32> to vector<16xi32>
      tpu.vector_store %arg8[%swap3A_49], %swap3A_52 {strides = array<i32>} : memref<128xi32, #tpu.memory_space<vmem>>, vector<16xi32>,
      %get3A_53 = arith.constant 48 : index
      %get3A_54 = tpu.vector_load %arg8[%get3A_53] {strides = array<i32>} : memref<128xi32, #tpu.memory_space<vmem>>, vector<16xi32>,
      %get3A_55 = vector.shape_cast %get3A_54 : vector<16xi32> to vector<16xi32>
      %mul3A_56 = arith.constant 2 : i32
      %mul3A_57 = vector.broadcast %mul3A_56 : i32 to vector<16xi32>
      %mul3A_58 = arith.muli %get3A_55, %mul3A_57 : vector<16xi32>
      %add3A_59 = vector.broadcast %arg0 : i32 to vector<16xi32>
      %add3A_60 = arith.addi %mul3A_58, %add3A_59 : vector<16xi32>
      %swap3A_61 = arith.constant 48 : index
      %swap3A_62 = tpu.vector_load %arg8[%swap3A_61] {strides = array<i32>} : memref<128xi32, #tpu.memory_space<vmem>>, vector<16xi32>,
      %swap3A_63 = vector.shape_cast %swap3A_62 : vector<16xi32> to vector<16xi32>
      %swap3A_64 = vector.shape_cast %add3A_60 : vector<16xi32> to vector<16xi32>
      tpu.vector_store %arg8[%swap3A_61], %swap3A_64 {strides = array<i32>} : memref<128xi32, #tpu.memory_space<vmem>>, vector<16xi32>,
      %get3A_65 = arith.constant 64 : index
      %get3A_66 = tpu.vector_load %arg8[%get3A_65] {strides = array<i32>} : memref<128xi32, #tpu.memory_space<vmem>>, vector<16xi32>,
      %get3A_67 = vector.shape_cast %get3A_66 : vector<16xi32> to vector<16xi32>
      %mul3A_68 = arith.constant 2 : i32
      %mul3A_69 = vector.broadcast %mul3A_68 : i32 to vector<16xi32>
      %mul3A_70 = arith.muli %get3A_67, %mul3A_69 : vector<16xi32>
      %add3A_71 = vector.broadcast %arg0 : i32 to vector<16xi32>
      %add3A_72 = arith.addi %mul3A_70, %add3A_71 : vector<16xi32>
      %swap3A_73 = arith.constant 64 : index
      %swap3A_74 = tpu.vector_load %arg8[%swap3A_73] {strides = array<i32>} : memref<128xi32, #tpu.memory_space<vmem>>, vector<16xi32>,
      %swap3A_75 = vector.shape_cast %swap3A_74 : vector<16xi32> to vector<16xi32>
      %swap3A_76 = vector.shape_cast %add3A_72 : vector<16xi32> to vector<16xi32>
      tpu.vector_store %arg8[%swap3A_73], %swap3A_76 {strides = array<i32>} : memref<128xi32, #tpu.memory_space<vmem>>, vector<16xi32>,
      %get3A_77 = arith.constant 80 : index
      %get3A_78 = tpu.vector_load %arg8[%get3A_77] {strides = array<i32>} : memref<128xi32, #tpu.memory_space<vmem>>, vector<16xi32>,
      %get3A_79 = vector.shape_cast %get3A_78 : vector<16xi32> to vector<16xi32>
      %mul3A_80 = arith.constant 2 : i32
      %mul3A_81 = vector.broadcast %mul3A_80 : i32 to vector<16xi32>
      %mul3A_82 = arith.muli %get3A_79, %mul3A_81 : vector<16xi32>
      %add3A_83 = vector.broadcast %arg0 : i32 to vector<16xi32>
      %add3A_84 = arith.addi %mul3A_82, %add3A_83 : vector<16xi32>
      %swap3A_85 = arith.constant 80 : index
      %swap3A_86 = tpu.vector_load %arg8[%swap3A_85] {strides = array<i32>} : memref<128xi32, #tpu.memory_space<vmem>>, vector<16xi32>,
      %swap3A_87 = vector.shape_cast %swap3A_86 : vector<16xi32> to vector<16xi32>
      %swap3A_88 = vector.shape_cast %add3A_84 : vector<16xi32> to vector<16xi32>
      tpu.vector_store %arg8[%swap3A_85], %swap3A_88 {strides = array<i32>} : memref<128xi32, #tpu.memory_space<vmem>>, vector<16xi32>,
      %get3A_89 = arith.constant 96 : index
      %get3A_90 = tpu.vector_load %arg8[%get3A_89] {strides = array<i32>} : memref<128xi32, #tpu.memory_space<vmem>>, vector<16xi32>,
      %get3A_91 = vector.shape_cast %get3A_90 : vector<16xi32> to vector<16xi32>
      %mul3A_92 = arith.constant 2 : i32
      %mul3A_93 = vector.broadcast %mul3A_92 : i32 to vector<16xi32>
      %mul3A_94 = arith.muli %get3A_91, %mul3A_93 : vector<16xi32>
      %add3A_95 = vector.broadcast %arg0 : i32 to vector<16xi32>
      %add3A_96 = arith.addi %mul3A_94, %add3A_95 : vector<16xi32>
      %swap3A_97 = arith.constant 96 : index
      %swap3A_98 = tpu.vector_load %arg8[%swap3A_97] {strides = array<i32>} : memref<128xi32, #tpu.memory_space<vmem>>, vector<16xi32>,
      %swap3A_99 = vector.shape_cast %swap3A_98 : vector<16xi32> to vector<16xi32>
      %swap3A_100 = vector.shape_cast %add3A_96 : vector<16xi32> to vector<16xi32>
      tpu.vector_store %arg8[%swap3A_97], %swap3A_100 {strides = array<i32>} : memref<128xi32, #tpu.memory_space<vmem>>, vector<16xi32>,
      %get3A_101 = arith.constant 112 : index
      %get3A_102 = tpu.vector_load %arg8[%get3A_101] {strides = array<i32>} : memref<128xi32, #tpu.memory_space<vmem>>, vector<16xi32>,
      %get3A_103 = vector.shape_cast %get3A_102 : vector<16xi32> to vector<16xi32>
      %mul3A_104 = arith.constant 2 : i32
      %mul3A_105 = vector.broadcast %mul3A_104 : i32 to vector<16xi32>
      %mul3A_106 = arith.muli %get3A_103, %mul3A_105 : vector<16xi32>
      %add3A_107 = vector.broadcast %arg0 : i32 to vector<16xi32>
      %add3A_108 = arith.addi %mul3A_106, %add3A_107 : vector<16xi32>
      %swap3A_109 = arith.constant 112 : index
      %swap3A_110 = tpu.vector_load %arg8[%swap3A_109] {strides = array<i32>} : memref<128xi32, #tpu.memory_space<vmem>>, vector<16xi32>,
      %swap3A_111 = vector.shape_cast %swap3A_110 : vector<16xi32> to vector<16xi32>
      %swap3A_112 = vector.shape_cast %add3A_108 : vector<16xi32> to vector<16xi32>
      tpu.vector_store %arg8[%swap3A_109], %swap3A_112 {strides = array<i32>} : memref<128xi32, #tpu.memory_space<vmem>>, vector<16xi32>,
      %dma_start3A = arith.constant 0 : i32
      %dma_start3A_113 = arith.constant 0 : i32
      %dma_start3A_114 = tpu.memref_slice %arg2[%dma_start3A, %dma_start3A_113] : memref<20480x128xf32, #tpu.memory_space<hbm>> -> memref<20480x128xf32, #tpu.memory_space<hbm>>
      tpu.enqueue_indirect_dma source(%dma_start3A_114 : memref<20480x128xf32, #tpu.memory_space<hbm>>) target(%arg10 : memref<128x128xf32, #tpu.memory_space<vmem>>) offsets(%arg8 : memref<128xi32, #tpu.memory_space<vmem>>) semaphore(%arg11 : memref<!tpu.dma_semaphore, #tpu.memory_space<semaphore_mem>>)
      %dma_wait3A = arith.constant 0 : i32
      %dma_wait3A_115 = arith.constant 0 : i32
      %dma_wait3A_116 = tpu.memref_slice %arg2[%dma_wait3A, %dma_wait3A_115] : memref<20480x128xf32, #tpu.memory_space<hbm>> -> memref<20480x128xf32, #tpu.memory_space<hbm>>
      tpu.wait_indirect_dma semaphore(%arg11 : memref<!tpu.dma_semaphore, #tpu.memory_space<semaphore_mem>>) src(%dma_wait3A_116 : memref<20480x128xf32, #tpu.memory_space<hbm>>) dst(%arg10 : memref<128x128xf32, #tpu.memory_space<vmem>>)
      "tpu.region"() ({
        %run_scoped3A = tpu.sem_alloc : memref<!tpu.dma_semaphore, #tpu.memory_space<semaphore_mem>>
        %dma_start3A_117 = arith.constant 0 : i32
        %dma_start3A_118 = arith.constant 0 : i32
        %dma_start3A_119 = tpu.memref_slice %arg7[%dma_start3A_117, %dma_start3A_118] : memref<10240x128xf32, #tpu.memory_space<vmem_shared>> -> memref<10240x128xf32, #tpu.memory_space<vmem_shared>>
        tpu.enqueue_indirect_dma source(%arg10 : memref<128x128xf32, #tpu.memory_space<vmem>>) target(%dma_start3A_119 : memref<10240x128xf32, #tpu.memory_space<vmem_shared>>) offsets(%arg9 : memref<128xi32, #tpu.memory_space<vmem>>) semaphore(%run_scoped3A : memref<!tpu.dma_semaphore, #tpu.memory_space<semaphore_mem>>) {add = true}
        %dma_wait3A_120 = arith.constant 0 : i32
        %dma_wait3A_121 = arith.constant 0 : i32
        %dma_wait3A_122 = tpu.memref_slice %arg7[%dma_wait3A_120, %dma_wait3A_121] : memref<10240x128xf32, #tpu.memory_space<vmem_shared>> -> memref<10240x128xf32, #tpu.memory_space<vmem_shared>>
        tpu.wait_indirect_dma semaphore(%run_scoped3A : memref<!tpu.dma_semaphore, #tpu.memory_space<semaphore_mem>>) src(%arg10 : memref<128x128xf32, #tpu.memory_space<vmem>>) dst(%dma_wait3A_122 : memref<10240x128xf32, #tpu.memory_space<vmem_shared>>)
        tpu.yield
      }) : () -> ()
    }
    %scan3A_7 = arith.constant 158 : i32
    %barrier3A_8 = arith.constant 0 : index
    tpu.barrier barrier_id(%barrier3A_8)
    %mul3A_9 = arith.constant 640 : i32
    %mul3A_10 = arith.muli %arg1, %mul3A_9 : i32
    %mul3A_11 = arith.constant 10240 : i32
    %mul3A_12 = arith.muli %arg0, %mul3A_11 : i32
    %mul3A_13 = arith.constant 640 : i32
    %mul3A_14 = arith.muli %arg1, %mul3A_13 : i32
    %add3A = arith.addi %mul3A_12, %mul3A_14 : i32
    "tpu.region"() ({
      %run_scoped3A = tpu.sem_alloc : memref<!tpu.dma_semaphore, #tpu.memory_space<semaphore_mem>>
      %dma_start3A = arith.constant 0 : i32
      %dma_start3A_15 = tpu.memref_slice %arg6[%add3A, %dma_start3A] : memref<20480x128xf32, #tpu.memory_space<hbm>> -> memref<640x128xf32, #tpu.memory_space<hbm>>
      %dma_start3A_16 = arith.constant 0 : i32
      %dma_start3A_17 = tpu.memref_slice %arg7[%mul3A_10, %dma_start3A_16] : memref<10240x128xf32, #tpu.memory_space<vmem_shared>> -> memref<640x128xf32, #tpu.memory_space<vmem_shared>>
      tpu.enqueue_dma source(%dma_start3A_17 : memref<640x128xf32, #tpu.memory_space<vmem_shared>>) target(%dma_start3A_15 : memref<640x128xf32, #tpu.memory_space<hbm>>) target_semaphore(%run_scoped3A : memref<!tpu.dma_semaphore, #tpu.memory_space<semaphore_mem>>)
      %dma_wait3A = arith.constant 0 : i32
      %dma_wait3A_18 = tpu.memref_slice %arg6[%add3A, %dma_wait3A] : memref<20480x128xf32, #tpu.memory_space<hbm>> -> memref<640x128xf32, #tpu.memory_space<hbm>>
      %dma_wait3A_19 = arith.constant 0 : i32
      %dma_wait3A_20 = tpu.memref_slice %arg7[%mul3A_10, %dma_wait3A_19] : memref<10240x128xf32, #tpu.memory_space<vmem_shared>> -> memref<640x128xf32, #tpu.memory_space<vmem_shared>>
      tpu.wait_dma2 semaphore(%run_scoped3A : memref<!tpu.dma_semaphore, #tpu.memory_space<semaphore_mem>>) src(%dma_wait3A_20 : memref<640x128xf32, #tpu.memory_space<vmem_shared>>) dst(%dma_wait3A_18 : memref<640x128xf32, #tpu.memory_space<hbm>>)
      tpu.yield
    }) : () -> ()
    return
  }
}

#map = affine_map<(d0, d1) -> (0, 0)>
#map1 = affine_map<(d0, d1) -> (0)>
module attributes {stable_mosaic.version = 14 : i64} {
  func.func @cseg(%arg0: i32, %arg1: i32, %arg2: memref<80x128xf32, #tpu.memory_space<hbm>>, %arg3: memref<323584xi32, #tpu.memory_space<hbm>>, %arg4: memref<323584xi32, #tpu.memory_space<hbm>>, %arg5: memref<80x128xf32, #tpu.memory_space<hbm>>, %arg6: memref<160x128xf32, #tpu.memory_space<hbm>>, %arg7: memref<80x128xf32, #tpu.memory_space<vmem_shared>>, %arg8: memref<80x128xf32, #tpu.memory_space<vmem>>, %arg9: memref<80x128xf32, #tpu.memory_space<vmem>>, %arg10: memref<10112xi32, #tpu.memory_space<vmem>>, %arg11: memref<10112xi32, #tpu.memory_space<vmem>>, %arg12: memref<80xi32, #tpu.memory_space<vmem>>) attributes {dimension_semantics = [#tpu.dimension_semantics<core_parallel>, #tpu.dimension_semantics<subcore_parallel>], iteration_bounds = array<i64: 2, 16>, scalar_prefetch = 0 : i64, scratch_operands = 6 : i64, tpu.core_type = #tpu.core_type<sc_vector_subcore>, window_params = [{transform_indices = #map}, {transform_indices = #map1}, {transform_indices = #map1}, {transform_indices = #map}, {transform_indices = #map}]} {
    "tpu.region"() ({
      %run_scoped3A = tpu.sem_alloc : memref<!tpu.dma_semaphore, #tpu.memory_space<semaphore_mem>>
      %dma_start3A = arith.constant 0 : i32
      %dma_start3A_39 = arith.constant 0 : i32
      %dma_start3A_40 = tpu.memref_slice %arg7[%dma_start3A, %dma_start3A_39] : memref<80x128xf32, #tpu.memory_space<vmem_shared>> -> memref<80x128xf32, #tpu.memory_space<vmem_shared>>
      tpu.enqueue_dma source(%arg5 : memref<80x128xf32, #tpu.memory_space<hbm>>) target(%dma_start3A_40 : memref<80x128xf32, #tpu.memory_space<vmem_shared>>) target_semaphore(%run_scoped3A : memref<!tpu.dma_semaphore, #tpu.memory_space<semaphore_mem>>)
      %dma_wait3A = arith.constant 0 : i32
      %dma_wait3A_41 = arith.constant 0 : i32
      %dma_wait3A_42 = tpu.memref_slice %arg7[%dma_wait3A, %dma_wait3A_41] : memref<80x128xf32, #tpu.memory_space<vmem_shared>> -> memref<80x128xf32, #tpu.memory_space<vmem_shared>>
      tpu.wait_dma2 semaphore(%run_scoped3A : memref<!tpu.dma_semaphore, #tpu.memory_space<semaphore_mem>>) src(%arg5 : memref<80x128xf32, #tpu.memory_space<hbm>>) dst(%dma_wait3A_42 : memref<80x128xf32, #tpu.memory_space<vmem_shared>>)
      tpu.yield
    }) : () -> ()
    "tpu.region"() ({
      %run_scoped3A = tpu.sem_alloc : memref<!tpu.dma_semaphore, #tpu.memory_space<semaphore_mem>>
      tpu.enqueue_dma source(%arg5 : memref<80x128xf32, #tpu.memory_space<hbm>>) target(%arg9 : memref<80x128xf32, #tpu.memory_space<vmem>>) target_semaphore(%run_scoped3A : memref<!tpu.dma_semaphore, #tpu.memory_space<semaphore_mem>>)
      tpu.wait_dma2 semaphore(%run_scoped3A : memref<!tpu.dma_semaphore, #tpu.memory_space<semaphore_mem>>) src(%arg5 : memref<80x128xf32, #tpu.memory_space<hbm>>) dst(%arg9 : memref<80x128xf32, #tpu.memory_space<vmem>>)
      tpu.yield
    }) : () -> ()
    "tpu.region"() ({
      %run_scoped3A = tpu.sem_alloc : memref<!tpu.dma_semaphore, #tpu.memory_space<semaphore_mem>>
      tpu.enqueue_dma source(%arg2 : memref<80x128xf32, #tpu.memory_space<hbm>>) target(%arg8 : memref<80x128xf32, #tpu.memory_space<vmem>>) target_semaphore(%run_scoped3A : memref<!tpu.dma_semaphore, #tpu.memory_space<semaphore_mem>>)
      tpu.wait_dma2 semaphore(%run_scoped3A : memref<!tpu.dma_semaphore, #tpu.memory_space<semaphore_mem>>) src(%arg2 : memref<80x128xf32, #tpu.memory_space<hbm>>) dst(%arg8 : memref<80x128xf32, #tpu.memory_space<vmem>>)
      tpu.yield
    }) : () -> ()
    %mul3A = arith.constant 16 : i32
    %mul3A_0 = arith.muli %arg0, %mul3A : i32
    %add3A = arith.addi %mul3A_0, %arg1 : i32
    %mul3A_1 = arith.constant 10112 : i32
    %mul3A_2 = arith.muli %add3A, %mul3A_1 : i32
    "tpu.region"() ({
      %run_scoped3A = tpu.sem_alloc : memref<!tpu.dma_semaphore, #tpu.memory_space<semaphore_mem>>
      %dma_start3A = tpu.memref_slice %arg3[%mul3A_2] : memref<323584xi32, #tpu.memory_space<hbm>> -> memref<10112xi32, #tpu.memory_space<hbm>>
      %dma_start3A_39 = tpu.memref_slice %arg3[%mul3A_2] : memref<323584xi32, #tpu.memory_space<hbm>> -> memref<10112xi32, #tpu.memory_space<hbm>>
      tpu.enqueue_dma source(%dma_start3A_39 : memref<10112xi32, #tpu.memory_space<hbm>>) target(%arg10 : memref<10112xi32, #tpu.memory_space<vmem>>) target_semaphore(%run_scoped3A : memref<!tpu.dma_semaphore, #tpu.memory_space<semaphore_mem>>)
      %dma_wait3A = tpu.memref_slice %arg3[%mul3A_2] : memref<323584xi32, #tpu.memory_space<hbm>> -> memref<10112xi32, #tpu.memory_space<hbm>>
      %dma_wait3A_40 = tpu.memref_slice %arg3[%mul3A_2] : memref<323584xi32, #tpu.memory_space<hbm>> -> memref<10112xi32, #tpu.memory_space<hbm>>
      tpu.wait_dma2 semaphore(%run_scoped3A : memref<!tpu.dma_semaphore, #tpu.memory_space<semaphore_mem>>) src(%dma_wait3A_40 : memref<10112xi32, #tpu.memory_space<hbm>>) dst(%arg10 : memref<10112xi32, #tpu.memory_space<vmem>>)
      tpu.yield
    }) : () -> ()
    "tpu.region"() ({
      %run_scoped3A = tpu.sem_alloc : memref<!tpu.dma_semaphore, #tpu.memory_space<semaphore_mem>>
      %dma_start3A = tpu.memref_slice %arg4[%mul3A_2] : memref<323584xi32, #tpu.memory_space<hbm>> -> memref<10112xi32, #tpu.memory_space<hbm>>
      %dma_start3A_39 = tpu.memref_slice %arg4[%mul3A_2] : memref<323584xi32, #tpu.memory_space<hbm>> -> memref<10112xi32, #tpu.memory_space<hbm>>
      tpu.enqueue_dma source(%dma_start3A_39 : memref<10112xi32, #tpu.memory_space<hbm>>) target(%arg11 : memref<10112xi32, #tpu.memory_space<vmem>>) target_semaphore(%run_scoped3A : memref<!tpu.dma_semaphore, #tpu.memory_space<semaphore_mem>>)
      %dma_wait3A = tpu.memref_slice %arg4[%mul3A_2] : memref<323584xi32, #tpu.memory_space<hbm>> -> memref<10112xi32, #tpu.memory_space<hbm>>
      %dma_wait3A_40 = tpu.memref_slice %arg4[%mul3A_2] : memref<323584xi32, #tpu.memory_space<hbm>> -> memref<10112xi32, #tpu.memory_space<hbm>>
      tpu.wait_dma2 semaphore(%run_scoped3A : memref<!tpu.dma_semaphore, #tpu.memory_space<semaphore_mem>>) src(%dma_wait3A_40 : memref<10112xi32, #tpu.memory_space<hbm>>) dst(%arg11 : memref<10112xi32, #tpu.memory_space<vmem>>)
      tpu.yield
    }) : () -> ()
    %iota3A = tpu.iota {dimensions = array<i32: 0>} : vector<16xi32>
    %add3A_3 = arith.constant 0 : i32
    %add3A_4 = vector.broadcast %add3A_3 : i32 to vector<16xi32>
    %add3A_5 = arith.addi %iota3A, %add3A_4 : vector<16xi32>
    %swap3A = arith.constant 0 : index
    %swap3A_6 = tpu.vector_load %arg12[%swap3A] {strides = array<i32>} : memref<80xi32, #tpu.memory_space<vmem>>, vector<16xi32>,
    tpu.vector_store %arg12[%swap3A], %add3A_5 {strides = array<i32>} : memref<80xi32, #tpu.memory_space<vmem>>, vector<16xi32>,
    %iota3A_7 = tpu.iota {dimensions = array<i32: 0>} : vector<16xi32>
    %add3A_8 = arith.constant 16 : i32
    %add3A_9 = vector.broadcast %add3A_8 : i32 to vector<16xi32>
    %add3A_10 = arith.addi %iota3A_7, %add3A_9 : vector<16xi32>
    %swap3A_11 = arith.constant 16 : index
    %swap3A_12 = tpu.vector_load %arg12[%swap3A_11] {strides = array<i32>} : memref<80xi32, #tpu.memory_space<vmem>>, vector<16xi32>,
    tpu.vector_store %arg12[%swap3A_11], %add3A_10 {strides = array<i32>} : memref<80xi32, #tpu.memory_space<vmem>>, vector<16xi32>,
    %iota3A_13 = tpu.iota {dimensions = array<i32: 0>} : vector<16xi32>
    %add3A_14 = arith.constant 32 : i32
    %add3A_15 = vector.broadcast %add3A_14 : i32 to vector<16xi32>
    %add3A_16 = arith.addi %iota3A_13, %add3A_15 : vector<16xi32>
    %swap3A_17 = arith.constant 32 : index
    %swap3A_18 = tpu.vector_load %arg12[%swap3A_17] {strides = array<i32>} : memref<80xi32, #tpu.memory_space<vmem>>, vector<16xi32>,
    tpu.vector_store %arg12[%swap3A_17], %add3A_16 {strides = array<i32>} : memref<80xi32, #tpu.memory_space<vmem>>, vector<16xi32>,
    %iota3A_19 = tpu.iota {dimensions = array<i32: 0>} : vector<16xi32>
    %add3A_20 = arith.constant 48 : i32
    %add3A_21 = vector.broadcast %add3A_20 : i32 to vector<16xi32>
    %add3A_22 = arith.addi %iota3A_19, %add3A_21 : vector<16xi32>
    %swap3A_23 = arith.constant 48 : index
    %swap3A_24 = tpu.vector_load %arg12[%swap3A_23] {strides = array<i32>} : memref<80xi32, #tpu.memory_space<vmem>>, vector<16xi32>,
    tpu.vector_store %arg12[%swap3A_23], %add3A_22 {strides = array<i32>} : memref<80xi32, #tpu.memory_space<vmem>>, vector<16xi32>,
    %iota3A_25 = tpu.iota {dimensions = array<i32: 0>} : vector<16xi32>
    %add3A_26 = arith.constant 64 : i32
    %add3A_27 = vector.broadcast %add3A_26 : i32 to vector<16xi32>
    %add3A_28 = arith.addi %iota3A_25, %add3A_27 : vector<16xi32>
    %swap3A_29 = arith.constant 64 : index
    %swap3A_30 = tpu.vector_load %arg12[%swap3A_29] {strides = array<i32>} : memref<80xi32, #tpu.memory_space<vmem>>, vector<16xi32>,
    tpu.vector_store %arg12[%swap3A_29], %add3A_28 {strides = array<i32>} : memref<80xi32, #tpu.memory_space<vmem>>, vector<16xi32>,
    %barrier3A = arith.constant 0 : index
    tpu.barrier barrier_id(%barrier3A)
    %scan3A = arith.constant 0 : i32
    %scan3A_31 = arith.constant 0 : i32
    %scan3A_32 = arith.constant 632 : i32
    %scan3A_33 = arith.addi %scan3A_31, %scan3A_32 : i32
    %scan3A_34 = arith.constant 1 : i32
    scf.for %scan3A_39 = %scan3A_31 to %scan3A_33 step %scan3A_34  : i32 {
      %mul3A_40 = arith.constant 16 : i32
      %mul3A_41 = arith.muli %scan3A_39, %mul3A_40 : i32
      %get3A = arith.index_cast %mul3A_41 : i32 to index
      %get3A_42 = tpu.vector_load %arg11[%get3A] {strides = array<i32>} : memref<10112xi32, #tpu.memory_space<vmem>>, vector<16xi32>,
      %shift_right_logical3A = arith.constant 7 : i32
      %shift_right_logical3A_43 = vector.broadcast %shift_right_logical3A : i32 to vector<16xi32>
      %shift_right_logical3A_44 = arith.shrui %get3A_42, %shift_right_logical3A_43 : vector<16xi32>
      %and3A = arith.constant 127 : i32
      %and3A_45 = vector.broadcast %and3A : i32 to vector<16xi32>
      %and3A_46 = arith.andi %get3A_42, %and3A_45 : vector<16xi32>
      %gather3A = tpu.vector_load_idx %arg8[%shift_right_logical3A_44, %and3A_46] : memref<80x128xf32, #tpu.memory_space<vmem>>[vector<16xi32>, vector<16xi32>], vector<16xf32>,
      %mul3A_47 = arith.constant 16 : i32
      %mul3A_48 = arith.muli %scan3A_39, %mul3A_47 : i32
      %get3A_49 = arith.index_cast %mul3A_48 : i32 to index
      %get3A_50 = tpu.vector_load %arg10[%get3A_49] {strides = array<i32>} : memref<10112xi32, #tpu.memory_space<vmem>>, vector<16xi32>,
      %shift_right_logical3A_51 = arith.constant 7 : i32
      %shift_right_logical3A_52 = vector.broadcast %shift_right_logical3A_51 : i32 to vector<16xi32>
      %shift_right_logical3A_53 = arith.shrui %get3A_50, %shift_right_logical3A_52 : vector<16xi32>
      %and3A_54 = arith.constant 127 : i32
      %and3A_55 = vector.broadcast %and3A_54 : i32 to vector<16xi32>
      %and3A_56 = arith.andi %get3A_50, %and3A_55 : vector<16xi32>
      tpu.vector_store_idx %arg9[%shift_right_logical3A_53, %and3A_56], %gather3A {add = true} : memref<80x128xf32, #tpu.memory_space<vmem>>[vector<16xi32>, vector<16xi32>], vector<16xf32>,
    }
    %scan3A_35 = arith.constant 632 : i32
    "tpu.region"() ({
      %run_scoped3A = tpu.sem_alloc : memref<!tpu.dma_semaphore, #tpu.memory_space<semaphore_mem>>
      %dma_start3A = arith.constant 0 : i32
      %dma_start3A_39 = arith.constant 0 : i32
      %dma_start3A_40 = tpu.memref_slice %arg7[%dma_start3A, %dma_start3A_39] : memref<80x128xf32, #tpu.memory_space<vmem_shared>> -> memref<80x128xf32, #tpu.memory_space<vmem_shared>>
      tpu.enqueue_indirect_dma source(%arg9 : memref<80x128xf32, #tpu.memory_space<vmem>>) target(%dma_start3A_40 : memref<80x128xf32, #tpu.memory_space<vmem_shared>>) offsets(%arg12 : memref<80xi32, #tpu.memory_space<vmem>>) semaphore(%run_scoped3A : memref<!tpu.dma_semaphore, #tpu.memory_space<semaphore_mem>>) {add = true}
      %dma_wait3A = arith.constant 0 : i32
      %dma_wait3A_41 = arith.constant 0 : i32
      %dma_wait3A_42 = tpu.memref_slice %arg7[%dma_wait3A, %dma_wait3A_41] : memref<80x128xf32, #tpu.memory_space<vmem_shared>> -> memref<80x128xf32, #tpu.memory_space<vmem_shared>>
      tpu.wait_indirect_dma semaphore(%run_scoped3A : memref<!tpu.dma_semaphore, #tpu.memory_space<semaphore_mem>>) src(%arg9 : memref<80x128xf32, #tpu.memory_space<vmem>>) dst(%dma_wait3A_42 : memref<80x128xf32, #tpu.memory_space<vmem_shared>>)
      tpu.yield
    }) : () -> ()
    %barrier3A_36 = arith.constant 0 : index
    tpu.barrier barrier_id(%barrier3A_36)
    %lt3A = arith.constant 10 : i32
    %lt3A_37 = arith.cmpi slt, %arg1, %lt3A : i32
    %convert_element_type3A = arith.extui %lt3A_37 : i1 to i32
    %cond3A = arith.constant 0 : i32
    %cond3A_38 = arith.cmpi ne, %convert_element_type3A, %cond3A : i32
    scf.if %cond3A_38 {
      %mul3A_39 = arith.constant 8 : i32
      %mul3A_40 = arith.muli %arg1, %mul3A_39 : i32
      %mul3A_41 = arith.constant 80 : i32
      %mul3A_42 = arith.muli %arg0, %mul3A_41 : i32
      %mul3A_43 = arith.constant 8 : i32
      %mul3A_44 = arith.muli %arg1, %mul3A_43 : i32
      %add3A_45 = arith.addi %mul3A_42, %mul3A_44 : i32
      "tpu.region"() ({
        %run_scoped3A = tpu.sem_alloc : memref<!tpu.dma_semaphore, #tpu.memory_space<semaphore_mem>>
        %dma_start3A = arith.constant 0 : i32
        %dma_start3A_46 = tpu.memref_slice %arg6[%add3A_45, %dma_start3A] : memref<160x128xf32, #tpu.memory_space<hbm>> -> memref<8x128xf32, #tpu.memory_space<hbm>>
        %dma_start3A_47 = arith.constant 0 : i32
        %dma_start3A_48 = tpu.memref_slice %arg7[%mul3A_40, %dma_start3A_47] : memref<80x128xf32, #tpu.memory_space<vmem_shared>> -> memref<8x128xf32, #tpu.memory_space<vmem_shared>>
        tpu.enqueue_dma source(%dma_start3A_48 : memref<8x128xf32, #tpu.memory_space<vmem_shared>>) target(%dma_start3A_46 : memref<8x128xf32, #tpu.memory_space<hbm>>) target_semaphore(%run_scoped3A : memref<!tpu.dma_semaphore, #tpu.memory_space<semaphore_mem>>)
        %dma_wait3A = arith.constant 0 : i32
        %dma_wait3A_49 = tpu.memref_slice %arg6[%add3A_45, %dma_wait3A] : memref<160x128xf32, #tpu.memory_space<hbm>> -> memref<8x128xf32, #tpu.memory_space<hbm>>
        %dma_wait3A_50 = arith.constant 0 : i32
        %dma_wait3A_51 = tpu.memref_slice %arg7[%mul3A_40, %dma_wait3A_50] : memref<80x128xf32, #tpu.memory_space<vmem_shared>> -> memref<8x128xf32, #tpu.memory_space<vmem_shared>>
        tpu.wait_dma2 semaphore(%run_scoped3A : memref<!tpu.dma_semaphore, #tpu.memory_space<semaphore_mem>>) src(%dma_wait3A_51 : memref<8x128xf32, #tpu.memory_space<vmem_shared>>) dst(%dma_wait3A_49 : memref<8x128xf32, #tpu.memory_space<hbm>>)
        tpu.yield
      }) : () -> ()
    } else {
    }
    return
  }
}

module attributes {stable_mosaic.version = 14 : i64} {
  func.func @_tc0_body(%arg0: i32, %arg1: memref<1024x128xf32, #tpu.memory_space<vmem>>, %arg2: memref<1024x1xf32, #tpu.memory_space<vmem>>, %arg3: memref<1024x1xf32, #tpu.memory_space<vmem>>, %arg4: memref<1024x1xf32, #tpu.memory_space<vmem>>, %arg5: memref<1024x128xf32, #tpu.memory_space<vmem>>, %arg6: memref<1024x1xf32, #tpu.memory_space<vmem>>, %arg7: memref<1024xf32, #tpu.memory_space<vmem>>) attributes {dimension_semantics = [#tpu.dimension_semantics<arbitrary>], iteration_bounds = array<i64: 10>, scalar_prefetch = 0 : i64, scratch_operands = 0 : i64, tpu.core_type = #tpu.core_type<tc>, window_params = [{transform_indices = @transform_0, window_bounds = array<i64: 1024, 128>}, {transform_indices = @transform_1, window_bounds = array<i64: 1024, 1>}, {transform_indices = @transform_2, window_bounds = array<i64: 1024, 1>}, {transform_indices = @transform_3, window_bounds = array<i64: 1024, 1>}, {transform_indices = @transform_4, window_bounds = array<i64: 1024, 128>}, {transform_indices = @transform_5, window_bounds = array<i64: 1024, 1>}, {transform_indices = @transform_6, window_bounds = array<i64: 1024>}]} {
    %get3A = arith.constant 0 : index
    %get3A_0 = arith.constant 0 : index
    %get3A_1 = vector.load %arg2[%get3A, %get3A_0] : memref<1024x1xf32, #tpu.memory_space<vmem>>, vector<1024x1xf32>
    %get3A_2 = arith.constant 0 : index
    %get3A_3 = arith.constant 0 : index
    %get3A_4 = vector.load %arg3[%get3A_2, %get3A_3] : memref<1024x1xf32, #tpu.memory_space<vmem>>, vector<1024x1xf32>
    %add3A = arith.addf %get3A_1, %get3A_4 : vector<1024x1xf32>
    %add3A_5 = arith.constant 1.000000e+00 : f32
    %add3A_6 = vector.broadcast %add3A_5 : f32 to vector<1024x1xf32>
    %add3A_7 = arith.addf %add3A, %add3A_6 : vector<1024x1xf32>
    %get3A_8 = arith.constant 0 : index
    %get3A_9 = arith.constant 0 : index
    %get3A_10 = vector.load %arg4[%get3A_8, %get3A_9] : memref<1024x1xf32, #tpu.memory_space<vmem>>, vector<1024x1xf32>
    %rsqrt3A = math.rsqrt %add3A_7 : vector<1024x1xf32>
    %mul3A = arith.mulf %get3A_10, %rsqrt3A : vector<1024x1xf32>
    %get3A_11 = arith.constant 0 : index
    %get3A_12 = arith.constant 0 : index
    %get3A_13 = vector.load %arg1[%get3A_11, %get3A_12] : memref<1024x128xf32, #tpu.memory_space<vmem>>, vector<1024x128xf32>
    %mul3A_14 = vector.broadcast %mul3A : vector<1024x1xf32> to vector<1024x128xf32>
    %mul3A_15 = arith.mulf %get3A_13, %mul3A_14 : vector<1024x128xf32>
    %swap3A = arith.constant 0 : index
    %swap3A_16 = arith.constant 0 : index
    %swap3A_17 = vector.load %arg5[%swap3A, %swap3A_16] : memref<1024x128xf32, #tpu.memory_space<vmem>>, vector<1024x128xf32>
    tpu.vector_store %arg5[%swap3A, %swap3A_16], %mul3A_15 {strides = array<i32>} : memref<1024x128xf32, #tpu.memory_space<vmem>>, vector<1024x128xf32>,
    %swap3A_18 = arith.constant 0 : index
    %swap3A_19 = arith.constant 0 : index
    %swap3A_20 = vector.load %arg6[%swap3A_18, %swap3A_19] : memref<1024x1xf32, #tpu.memory_space<vmem>>, vector<1024x1xf32>
    tpu.vector_store %arg6[%swap3A_18, %swap3A_19], %mul3A {strides = array<i32>} : memref<1024x1xf32, #tpu.memory_space<vmem>>, vector<1024x1xf32>,
    %squeeze3A = vector.shape_cast %mul3A : vector<1024x1xf32> to vector<1024xf32>
    %swap3A_21 = arith.constant 0 : index
    %swap3A_22 = vector.load %arg7[%swap3A_21] : memref<1024xf32, #tpu.memory_space<vmem>>, vector<1024xf32>
    tpu.vector_store %arg7[%swap3A_21], %squeeze3A {strides = array<i32>} : memref<1024xf32, #tpu.memory_space<vmem>>, vector<1024xf32>,
    return
  }
  func.func @transform_0(%arg0: i32) -> (i32, i32) {
    %c0_i32 = arith.constant 0 : i32
    %c0_i32_0 = arith.constant 0 : i32
    return %arg0, %c0_i32 : i32, i32
  }
  func.func @transform_1(%arg0: i32) -> (i32, i32) {
    %c0_i32 = arith.constant 0 : i32
    %c0_i32_0 = arith.constant 0 : i32
    return %arg0, %c0_i32 : i32, i32
  }
  func.func @transform_2(%arg0: i32) -> (i32, i32) {
    %c0_i32 = arith.constant 0 : i32
    %c0_i32_0 = arith.constant 0 : i32
    return %arg0, %c0_i32 : i32, i32
  }
  func.func @transform_3(%arg0: i32) -> (i32, i32) {
    %c0_i32 = arith.constant 0 : i32
    %c0_i32_0 = arith.constant 0 : i32
    return %arg0, %c0_i32 : i32, i32
  }
  func.func @transform_4(%arg0: i32) -> (i32, i32) {
    %c0_i32 = arith.constant 0 : i32
    %c0_i32_0 = arith.constant 0 : i32
    return %arg0, %c0_i32 : i32, i32
  }
  func.func @transform_5(%arg0: i32) -> (i32, i32) {
    %c0_i32 = arith.constant 0 : i32
    %c0_i32_0 = arith.constant 0 : i32
    return %arg0, %c0_i32 : i32, i32
  }
  func.func @transform_6(%arg0: i32) -> i32 {
    %c0_i32 = arith.constant 0 : i32
    return %arg0 : i32
  }
}

module attributes {stable_mosaic.version = 14 : i64} {
  func.func @_tc1_body(%arg0: i32, %arg1: memref<1024x128xf32, #tpu.memory_space<vmem>>, %arg2: memref<1024x128xf32, #tpu.memory_space<vmem>>, %arg3: memref<1024x128xf32, #tpu.memory_space<vmem>>, %arg4: memref<1024x1xf32, #tpu.memory_space<vmem>>, %arg5: memref<128x256xf32, #tpu.memory_space<vmem>>, %arg6: memref<1x256xf32, #tpu.memory_space<vmem>>, %arg7: memref<1024x256xf32, #tpu.memory_space<vmem>>) attributes {dimension_semantics = [#tpu.dimension_semantics<arbitrary>], iteration_bounds = array<i64: 10>, scalar_prefetch = 0 : i64, scratch_operands = 0 : i64, tpu.core_type = #tpu.core_type<tc>, window_params = [{transform_indices = @transform_0, window_bounds = array<i64: 1024, 128>}, {transform_indices = @transform_1, window_bounds = array<i64: 1024, 128>}, {transform_indices = @transform_2, window_bounds = array<i64: 1024, 128>}, {transform_indices = @transform_3, window_bounds = array<i64: 1024, 1>}, {pipeline_mode = #tpu.pipeline_mode<synchronous>, transform_indices = @transform_4, window_bounds = array<i64: 128, 256>}, {pipeline_mode = #tpu.pipeline_mode<synchronous>, transform_indices = @transform_5, window_bounds = array<i64: 1, 256>}, {transform_indices = @transform_6, window_bounds = array<i64: 1024, 256>}]} {
    %get3A = arith.constant 0 : index
    %get3A_0 = arith.constant 0 : index
    %get3A_1 = vector.load %arg1[%get3A, %get3A_0] : memref<1024x128xf32, #tpu.memory_space<vmem>>, vector<1024x128xf32>
    %get3A_2 = arith.constant 0 : index
    %get3A_3 = arith.constant 0 : index
    %get3A_4 = vector.load %arg2[%get3A_2, %get3A_3] : memref<1024x128xf32, #tpu.memory_space<vmem>>, vector<1024x128xf32>
    %add3A = arith.addf %get3A_1, %get3A_4 : vector<1024x128xf32>
    %get3A_5 = arith.constant 0 : index
    %get3A_6 = arith.constant 0 : index
    %get3A_7 = vector.load %arg4[%get3A_5, %get3A_6] : memref<1024x1xf32, #tpu.memory_space<vmem>>, vector<1024x1xf32>
    %get3A_8 = arith.constant 0 : index
    %get3A_9 = arith.constant 0 : index
    %get3A_10 = vector.load %arg3[%get3A_8, %get3A_9] : memref<1024x128xf32, #tpu.memory_space<vmem>>, vector<1024x128xf32>
    %add3A_11 = arith.addf %add3A, %get3A_10 : vector<1024x128xf32>
    %mul3A = vector.broadcast %get3A_7 : vector<1024x1xf32> to vector<1024x128xf32>
    %mul3A_12 = arith.mulf %add3A_11, %mul3A : vector<1024x128xf32>
    %get3A_13 = arith.constant 0 : index
    %get3A_14 = arith.constant 0 : index
    %get3A_15 = vector.load %arg5[%get3A_13, %get3A_14] : memref<128x256xf32, #tpu.memory_space<vmem>>, vector<128x256xf32>
    %dot_general3A = arith.constant dense<0.000000e+00> : vector<1024x256xf32>
    %dot_general3A_16 = tpu.matmul %mul3A_12, %get3A_15, %dot_general3A {dimension_numbers = #tpu.dot_dimension_numbers<[1], [0], [0], [1], [0, 0, 1, 1], [], []>, transpose_lhs_hint = false} : vector<1024x128xf32>, vector<128x256xf32>, vector<1024x256xf32> -> vector<1024x256xf32>
    %get3A_17 = arith.constant 0 : index
    %get3A_18 = arith.constant 0 : index
    %get3A_19 = vector.load %arg6[%get3A_17, %get3A_18] : memref<1x256xf32, #tpu.memory_space<vmem>>, vector<1x256xf32>
    %add3A_20 = vector.broadcast %get3A_19 : vector<1x256xf32> to vector<1024x256xf32>
    %add3A_21 = arith.addf %dot_general3A_16, %add3A_20 : vector<1024x256xf32>
    %max3A = arith.constant 0.000000e+00 : f32
    %max3A_22 = vector.broadcast %max3A : f32 to vector<1024x256xf32>
    %max3A_23 = arith.maximumf %add3A_21, %max3A_22 : vector<1024x256xf32>
    %mul3A_24 = vector.broadcast %get3A_7 : vector<1024x1xf32> to vector<1024x256xf32>
    %mul3A_25 = arith.mulf %max3A_23, %mul3A_24 : vector<1024x256xf32>
    %swap3A = arith.constant 0 : index
    %swap3A_26 = arith.constant 0 : index
    %swap3A_27 = vector.load %arg7[%swap3A, %swap3A_26] : memref<1024x256xf32, #tpu.memory_space<vmem>>, vector<1024x256xf32>
    tpu.vector_store %arg7[%swap3A, %swap3A_26], %mul3A_25 {strides = array<i32>} : memref<1024x256xf32, #tpu.memory_space<vmem>>, vector<1024x256xf32>,
    return
  }
  func.func @transform_0(%arg0: i32) -> (i32, i32) {
    %c0_i32 = arith.constant 0 : i32
    %c0_i32_0 = arith.constant 0 : i32
    return %arg0, %c0_i32 : i32, i32
  }
  func.func @transform_1(%arg0: i32) -> (i32, i32) {
    %c0_i32 = arith.constant 0 : i32
    %c0_i32_0 = arith.constant 0 : i32
    return %arg0, %c0_i32 : i32, i32
  }
  func.func @transform_2(%arg0: i32) -> (i32, i32) {
    %c0_i32 = arith.constant 0 : i32
    %c0_i32_0 = arith.constant 0 : i32
    return %arg0, %c0_i32 : i32, i32
  }
  func.func @transform_3(%arg0: i32) -> (i32, i32) {
    %c0_i32 = arith.constant 0 : i32
    %c0_i32_0 = arith.constant 0 : i32
    return %arg0, %c0_i32 : i32, i32
  }
  func.func @transform_4(%arg0: i32) -> (i32, i32) {
    %c0_i32 = arith.constant 0 : i32
    %c0_i32_0 = arith.constant 0 : i32
    %c0_i32_1 = arith.constant 0 : i32
    return %c0_i32, %c0_i32_0 : i32, i32
  }
  func.func @transform_5(%arg0: i32) -> (i32, i32) {
    %c0_i32 = arith.constant 0 : i32
    %c0_i32_0 = arith.constant 0 : i32
    %c0_i32_1 = arith.constant 0 : i32
    return %c0_i32, %c0_i32_0 : i32, i32
  }
  func.func @transform_6(%arg0: i32) -> (i32, i32) {
    %c0_i32 = arith.constant 0 : i32
    %c0_i32_0 = arith.constant 0 : i32
    return %arg0, %c0_i32 : i32, i32
  }
}

module attributes {stable_mosaic.version = 14 : i64} {
  func.func @_tc2_body(%arg0: i32, %arg1: memref<1024x128xf32, #tpu.memory_space<vmem>>, %arg2: memref<1024x128xf32, #tpu.memory_space<vmem>>, %arg3: memref<1024x256xf32, #tpu.memory_space<vmem>>, %arg4: memref<1024x1xf32, #tpu.memory_space<vmem>>, %arg5: memref<1024x1xf32, #tpu.memory_space<vmem>>, %arg6: memref<1024x1xf32, #tpu.memory_space<vmem>>, %arg7: memref<256x256xf32, #tpu.memory_space<vmem>>, %arg8: memref<1x256xf32, #tpu.memory_space<vmem>>, %arg9: memref<8x256xf32, #tpu.memory_space<vmem>>) attributes {dimension_semantics = [#tpu.dimension_semantics<arbitrary>], iteration_bounds = array<i64: 10>, scalar_prefetch = 0 : i64, scratch_operands = 0 : i64, tpu.core_type = #tpu.core_type<tc>, window_params = [{transform_indices = @transform_0, window_bounds = array<i64: 1024, 128>}, {transform_indices = @transform_1, window_bounds = array<i64: 1024, 128>}, {transform_indices = @transform_2, window_bounds = array<i64: 1024, 256>}, {transform_indices = @transform_3, window_bounds = array<i64: 1024, 1>}, {transform_indices = @transform_4, window_bounds = array<i64: 1024, 1>}, {transform_indices = @transform_5, window_bounds = array<i64: 1024, 1>}, {pipeline_mode = #tpu.pipeline_mode<synchronous>, transform_indices = @transform_6, window_bounds = array<i64: 256, 256>}, {pipeline_mode = #tpu.pipeline_mode<synchronous>, transform_indices = @transform_7, window_bounds = array<i64: 1, 256>}, {pipeline_mode = #tpu.pipeline_mode<synchronous>, transform_indices = @transform_8, window_bounds = array<i64: 8, 256>}]} {
    %get3A = arith.constant 0 : index
    %get3A_0 = arith.constant 0 : index
    %get3A_1 = vector.load %arg1[%get3A, %get3A_0] : memref<1024x128xf32, #tpu.memory_space<vmem>>, vector<1024x128xf32>
    %get3A_2 = arith.constant 0 : index
    %get3A_3 = arith.constant 0 : index
    %get3A_4 = vector.load %arg2[%get3A_2, %get3A_3] : memref<1024x128xf32, #tpu.memory_space<vmem>>, vector<1024x128xf32>
    %concatenate3A = tpu.concatenate %get3A_1, %get3A_4 in 1 : vector<1024x128xf32>, vector<1024x128xf32> -> vector<1024x256xf32>
    %get3A_5 = arith.constant 0 : index
    %get3A_6 = arith.constant 0 : index
    %get3A_7 = vector.load %arg4[%get3A_5, %get3A_6] : memref<1024x1xf32, #tpu.memory_space<vmem>>, vector<1024x1xf32>
    %get3A_8 = arith.constant 0 : index
    %get3A_9 = arith.constant 0 : index
    %get3A_10 = vector.load %arg3[%get3A_8, %get3A_9] : memref<1024x256xf32, #tpu.memory_space<vmem>>, vector<1024x256xf32>
    %add3A = arith.addf %concatenate3A, %get3A_10 : vector<1024x256xf32>
    %mul3A = vector.broadcast %get3A_7 : vector<1024x1xf32> to vector<1024x256xf32>
    %mul3A_11 = arith.mulf %add3A, %mul3A : vector<1024x256xf32>
    %get3A_12 = arith.constant 0 : index
    %get3A_13 = arith.constant 0 : index
    %get3A_14 = vector.load %arg7[%get3A_12, %get3A_13] : memref<256x256xf32, #tpu.memory_space<vmem>>, vector<256x256xf32>
    %dot_general3A = arith.constant dense<0.000000e+00> : vector<1024x256xf32>
    %dot_general3A_15 = tpu.matmul %mul3A_11, %get3A_14, %dot_general3A {dimension_numbers = #tpu.dot_dimension_numbers<[1], [0], [0], [1], [0, 0, 1, 1], [], []>, transpose_lhs_hint = false} : vector<1024x256xf32>, vector<256x256xf32>, vector<1024x256xf32> -> vector<1024x256xf32>
    %get3A_16 = arith.constant 0 : index
    %get3A_17 = arith.constant 0 : index
    %get3A_18 = vector.load %arg8[%get3A_16, %get3A_17] : memref<1x256xf32, #tpu.memory_space<vmem>>, vector<1x256xf32>
    %add3A_19 = vector.broadcast %get3A_18 : vector<1x256xf32> to vector<1024x256xf32>
    %add3A_20 = arith.addf %dot_general3A_15, %add3A_19 : vector<1024x256xf32>
    %max3A = arith.constant 0.000000e+00 : f32
    %max3A_21 = vector.broadcast %max3A : f32 to vector<1024x256xf32>
    %max3A_22 = arith.maximumf %add3A_20, %max3A_21 : vector<1024x256xf32>
    %get3A_23 = arith.constant 0 : index
    %get3A_24 = arith.constant 0 : index
    %get3A_25 = vector.load %arg5[%get3A_23, %get3A_24] : memref<1024x1xf32, #tpu.memory_space<vmem>>, vector<1024x1xf32>
    %get3A_26 = arith.constant 0 : index
    %get3A_27 = arith.constant 0 : index
    %get3A_28 = vector.load %arg6[%get3A_26, %get3A_27] : memref<1024x1xf32, #tpu.memory_space<vmem>>, vector<1024x1xf32>
    %add3A_29 = arith.addf %get3A_25, %get3A_28 : vector<1024x1xf32>
    %add3A_30 = arith.addf %add3A_29, %get3A_7 : vector<1024x1xf32>
    %mul3A_31 = arith.mulf %get3A_7, %add3A_30 : vector<1024x1xf32>
    %mul3A_32 = vector.broadcast %mul3A_31 : vector<1024x1xf32> to vector<1024x256xf32>
    %mul3A_33 = arith.mulf %mul3A_32, %max3A_22 : vector<1024x256xf32>
    %reduce_sum3A = arith.constant dense<0.000000e+00> : vector<256xf32>
    %reduce_sum3A_34 = vector.multi_reduction <add>, %mul3A_33, %reduce_sum3A [0] : vector<1024x256xf32> to vector<256xf32>
    %broadcast_in_dim3A = vector.shape_cast %reduce_sum3A_34 : vector<256xf32> to vector<1x256xf32>
    %eq3A = arith.constant 0 : i32
    %eq3A_35 = arith.cmpi eq, %arg0, %eq3A : i32
    %convert_element_type3A = arith.extui %eq3A_35 : i1 to i32
    %cond3A = arith.constant 0 : i32
    %cond3A_36 = arith.cmpi ne, %convert_element_type3A, %cond3A : i32
    scf.if %cond3A_36 {
      %broadcast_in_dim3A_43 = arith.constant 0.000000e+00 : f32
      %broadcast_in_dim3A_44 = vector.broadcast %broadcast_in_dim3A_43 : f32 to vector<8x256xf32>
      %swap3A_45 = arith.constant 0 : index
      %swap3A_46 = arith.constant 0 : index
      %swap3A_47 = vector.load %arg9[%swap3A_45, %swap3A_46] : memref<8x256xf32, #tpu.memory_space<vmem>>, vector<8x256xf32>
      tpu.vector_store %arg9[%swap3A_45, %swap3A_46], %broadcast_in_dim3A_44 {strides = array<i32>} : memref<8x256xf32, #tpu.memory_space<vmem>>, vector<8x256xf32>,
    } else {
    }
    %get3A_37 = arith.constant 0 : index
    %get3A_38 = arith.constant 0 : index
    %get3A_39 = vector.load %arg9[%get3A_37, %get3A_38] : memref<8x256xf32, #tpu.memory_space<vmem>>, vector<1x256xf32>
    %add3A_40 = arith.addf %get3A_39, %broadcast_in_dim3A : vector<1x256xf32>
    %swap3A = arith.constant 0 : index
    %swap3A_41 = arith.constant 0 : index
    %swap3A_42 = vector.load %arg9[%swap3A, %swap3A_41] : memref<8x256xf32, #tpu.memory_space<vmem>>, vector<1x256xf32>
    tpu.vector_store %arg9[%swap3A, %swap3A_41], %add3A_40 {strides = array<i32>} : memref<8x256xf32, #tpu.memory_space<vmem>>, vector<1x256xf32>,
    return
  }
  func.func @transform_0(%arg0: i32) -> (i32, i32) {
    %c0_i32 = arith.constant 0 : i32
    %c0_i32_0 = arith.constant 0 : i32
    return %arg0, %c0_i32 : i32, i32
  }
  func.func @transform_1(%arg0: i32) -> (i32, i32) {
    %c0_i32 = arith.constant 0 : i32
    %c0_i32_0 = arith.constant 0 : i32
    return %arg0, %c0_i32 : i32, i32
  }
  func.func @transform_2(%arg0: i32) -> (i32, i32) {
    %c0_i32 = arith.constant 0 : i32
    %c0_i32_0 = arith.constant 0 : i32
    return %arg0, %c0_i32 : i32, i32
  }
  func.func @transform_3(%arg0: i32) -> (i32, i32) {
    %c0_i32 = arith.constant 0 : i32
    %c0_i32_0 = arith.constant 0 : i32
    return %arg0, %c0_i32 : i32, i32
  }
  func.func @transform_4(%arg0: i32) -> (i32, i32) {
    %c0_i32 = arith.constant 0 : i32
    %c0_i32_0 = arith.constant 0 : i32
    return %arg0, %c0_i32 : i32, i32
  }
  func.func @transform_5(%arg0: i32) -> (i32, i32) {
    %c0_i32 = arith.constant 0 : i32
    %c0_i32_0 = arith.constant 0 : i32
    return %arg0, %c0_i32 : i32, i32
  }
  func.func @transform_6(%arg0: i32) -> (i32, i32) {
    %c0_i32 = arith.constant 0 : i32
    %c0_i32_0 = arith.constant 0 : i32
    %c0_i32_1 = arith.constant 0 : i32
    return %c0_i32, %c0_i32_0 : i32, i32
  }
  func.func @transform_7(%arg0: i32) -> (i32, i32) {
    %c0_i32 = arith.constant 0 : i32
    %c0_i32_0 = arith.constant 0 : i32
    %c0_i32_1 = arith.constant 0 : i32
    return %c0_i32, %c0_i32_0 : i32, i32
  }
  func.func @transform_8(%arg0: i32) -> (i32, i32) {
    %c0_i32 = arith.constant 0 : i32
    %c0_i32_0 = arith.constant 0 : i32
    %c0_i32_1 = arith.constant 0 : i32
    return %c0_i32, %c0_i32_0 : i32, i32
  }
}

module attributes {stable_mosaic.version = 14 : i64} {
  func.func @_tc3_body(%arg0: memref<1x256xf32, #tpu.memory_space<vmem>>, %arg1: memref<256x128xf32, #tpu.memory_space<vmem>>, %arg2: memref<1x128xf32, #tpu.memory_space<vmem>>, %arg3: memref<128x8xf32, #tpu.memory_space<vmem>>, %arg4: memref<1x8xf32, #tpu.memory_space<vmem>>, %arg5: memref<1x128xf32, #tpu.memory_space<vmem>>, %arg6: memref<1x8xf32, #tpu.memory_space<vmem>>) attributes {dimension_semantics = [], scalar_prefetch = 0 : i64, scratch_operands = 0 : i64, tpu.core_type = #tpu.core_type<tc>} {
    %get3A = arith.constant 0 : index
    %get3A_0 = arith.constant 0 : index
    %get3A_1 = vector.load %arg0[%get3A, %get3A_0] : memref<1x256xf32, #tpu.memory_space<vmem>>, vector<1x256xf32>
    %mul3A = arith.constant 9.99999974E-5 : f32
    %mul3A_2 = vector.broadcast %mul3A : f32 to vector<1x256xf32>
    %mul3A_3 = arith.mulf %get3A_1, %mul3A_2 : vector<1x256xf32>
    %get3A_4 = arith.constant 0 : index
    %get3A_5 = arith.constant 0 : index
    %get3A_6 = vector.load %arg1[%get3A_4, %get3A_5] : memref<256x128xf32, #tpu.memory_space<vmem>>, vector<256x128xf32>
    %dot_general3A = arith.constant dense<0.000000e+00> : vector<1x128xf32>
    %dot_general3A_7 = tpu.matmul %mul3A_3, %get3A_6, %dot_general3A {dimension_numbers = #tpu.dot_dimension_numbers<[1], [0], [0], [1], [0, 0, 1, 1], [], []>, transpose_lhs_hint = false} : vector<1x256xf32>, vector<256x128xf32>, vector<1x128xf32> -> vector<1x128xf32>
    %get3A_8 = arith.constant 0 : index
    %get3A_9 = arith.constant 0 : index
    %get3A_10 = vector.load %arg2[%get3A_8, %get3A_9] : memref<1x128xf32, #tpu.memory_space<vmem>>, vector<1x128xf32>
    %add3A = arith.addf %dot_general3A_7, %get3A_10 : vector<1x128xf32>
    %swap3A = arith.constant 0 : index
    %swap3A_11 = arith.constant 0 : index
    %swap3A_12 = vector.load %arg5[%swap3A, %swap3A_11] : memref<1x128xf32, #tpu.memory_space<vmem>>, vector<1x128xf32>
    tpu.vector_store %arg5[%swap3A, %swap3A_11], %add3A {strides = array<i32>} : memref<1x128xf32, #tpu.memory_space<vmem>>, vector<1x128xf32>,
    %get3A_13 = arith.constant 0 : index
    %get3A_14 = arith.constant 0 : index
    %get3A_15 = vector.load %arg3[%get3A_13, %get3A_14] : memref<128x8xf32, #tpu.memory_space<vmem>>, vector<128x8xf32>
    %dot_general3A_16 = arith.constant dense<0.000000e+00> : vector<1x8xf32>
    %dot_general3A_17 = tpu.matmul %add3A, %get3A_15, %dot_general3A_16 {dimension_numbers = #tpu.dot_dimension_numbers<[1], [0], [0], [1], [0, 0, 1, 1], [], []>, transpose_lhs_hint = false} : vector<1x128xf32>, vector<128x8xf32>, vector<1x8xf32> -> vector<1x8xf32>
    %get3A_18 = arith.constant 0 : index
    %get3A_19 = arith.constant 0 : index
    %get3A_20 = vector.load %arg4[%get3A_18, %get3A_19] : memref<1x8xf32, #tpu.memory_space<vmem>>, vector<1x8xf32>
    %add3A_21 = arith.addf %dot_general3A_17, %get3A_20 : vector<1x8xf32>
    %neg3A = arith.constant 0.000000e+00 : f32
    %neg3A_22 = vector.broadcast %neg3A : f32 to vector<1x8xf32>
    %neg3A_23 = arith.subf %neg3A_22, %add3A_21 : vector<1x8xf32>
    %exp3A = math.exp %neg3A_23 : vector<1x8xf32>
    %add3A_24 = arith.constant 1.000000e+00 : f32
    %add3A_25 = vector.broadcast %add3A_24 : f32 to vector<1x8xf32>
    %add3A_26 = arith.addf %add3A_25, %exp3A : vector<1x8xf32>
    %div3A = arith.constant 1.000000e+00 : f32
    %div3A_27 = vector.broadcast %div3A : f32 to vector<1x8xf32>
    %div3A_28 = arith.divf %div3A_27, %add3A_26 : vector<1x8xf32>
    %swap3A_29 = arith.constant 0 : index
    %swap3A_30 = arith.constant 0 : index
    %swap3A_31 = vector.load %arg6[%swap3A_29, %swap3A_30] : memref<1x8xf32, #tpu.memory_space<vmem>>, vector<1x8xf32>
    tpu.vector_store %arg6[%swap3A_29, %swap3A_30], %div3A_28 {strides = array<i32>} : memref<1x8xf32, #tpu.memory_space<vmem>>, vector<1x8xf32>,
    return
  }
}

</mosaic_0001>

<sc_bundles>
// kernel: kernel.10.cloned.1.call-start
scs
__scs_entry_jumppad:
0x0: {  	(pc) =	sbr.rel $0x88, $3  }
0x1: {  	(tag) =	ssettag $0x0;
	lr =	simm.s32 $0x1  }
0x2: {  	[smem:$0x3F93] =	sst lr;
	_ =	strace $0xD0000000  }
0x3: {  	_ = 	snop  }
0x4: {  	_ = 	snop  }
0x5: {  	_ = 	snop  }
0x6: {  	_ = 	snop  }
0x7: {  	_ = 	snop  }
__scs_overlays_trampoline_lowered:
0x8: {  	[smem:$0x3FA2] =	sst s0  }
0x9: {  	[smem:$0x3FA3] =	sst s1  }
0xa: {  	[smem:$0x3FA4] =	sst s2  }
0xb: {  	[smem:$0x3FA5] =	sst s3  }
0xc: {  	[smem:$0x3FA6] =	sst s4  }
0xd: {  	[smem:$0x3FA7] =	sst s5  }
0xe: {  	[smem:$0x3FA8] =	sst s6  }
0xf: {  	[smem:$0x3FA9] =	sst s7  }
0x10: {  	[smem:$0x3FAA] =	sst s8  }
0x11: {  	[smem:$0x3FAB] =	sst s9;
	s0 =	simm.s32 @!p0 $0x0  }
0x12: {  	s1 =	sld [smem:$0x3F91];
	s0 =	simm.s32 @p0 $0x1  }
0x13: {  	[smem:$0x3FAC] =	sst s0;
	s0 =	simm.s32 @!p1 $0x0  }
0x14: {  	s2 =	sld [smem:$0x3F90];
	s0 =	simm.s32 @p1 $0x1  }
0x15: {  	[smem:$0x3FAD] =	sst s0;
	s0 =	simm.s32 @!p2 $0x0  }
0x16: {  	s3 =	sld [smem:$0x3FDB];
	s0 =	simm.s32 @p2 $0x1  }
0x17: {  	s4 =	simm.s32 $0x1BF5;
	[smem:$0x3FAF] =	sst s0  }
0x18: {  	s0 =	sld [smem:$0x3F92];
	_ =	swait.ge [sflag:s4], $0x0  }
0x19: {  	s7 =	sld [smem:$0x3F93]  }
0x1a: {  	s8 =	sadd.s32 $0xFFFFE003, lr  }
0x1b: {  	s9 =	sadd.s32 $0xFFFFFEF7, lr;
	s5 =	simm.s32 $0xFFFFFFFF;
	p2 =	slt.u32 s8, $0xFFFFF086  }
0x1c: {  	p1 =	slt.u32 s9, $0xF7A;
	s5 =	simm.s32 @!p2 $0x0  }
0x1d: {  	s5 =	simm.s32 @p1 $0x1;
	p0 =	seq.s32 s7, s2  }
0x1e: {  	s7 =	smul.u32 @!p0 $0xF7A, s2;
	p2 =	seq.s32 @!p0 s5, $0x0  }
0x1f: {  	s9 =	smul.u32 $0xF7A, s1;
	s8 =	simm.s32 @!p0 $0x1BF5;
	p2 =	por !p2, p0  }
0x20: {  	[sflag:s8] =	ssyncset.s32 @!p0 $0xFFFFF086;
	s6 =	sadd.s32 @!p0 s3, s7;
	s7 =	simm.s32 @!p0 $0x108  }
0x21: {  	s3 =	sadd.s32 s3, s9;
	s6 =	sadd.s32 @!p0 $0x88, s6;
	s7 =	simm.s32 @p2 $0x1082  }
0x22: {  	[simem:s7], [sflag:s8] =	dma.local @!p0 [hbm:s6], $0xF7A  }
0x23: {  	s9 =	sor.u32 $0xD0000000, s2;
	s6 =	simm.s32 $0x108;
	_ =	swait.ge @!p0 [sflag:s8], $0x0  }
0x24: {  	s3 =	sadd.s32 $0x88, s3;
	s6 =	simm.s32 @!p1 $0x1082;
	[sflag:s4] =	ssyncset.s32 $0xFFFFF086  }
0x25: {  	[simem:s6], [sflag:s4] =	dma.local [hbm:s3], $0xF7A  }
0x26: {  	[smem:$0x3F93] =	sst s1;
	(tag) =	ssettag s2;
	_ =	strace s9  }
0x27: {  	s1 =	sld [smem:$0x3FA3]  }
0x28: {  	s2 =	sld [smem:$0x3FA4]  }
0x29: {  	s4 =	sld [smem:$0x3FA6]  }
0x2a: {  	p0 =	seq.s32 s5, $0x0;
	s5 =	sld [smem:$0x3FA7]  }
0x2b: {  	s6 =	sld [smem:$0x3FA8]  }
0x2c: {  	s7 =	sld [smem:$0x3FA9]  }
0x2d: {  	s3 =	simm.s32 $0x108;
	s8 =	sld [smem:$0x3FAA]  }
0x2e: {  	s3 =	simm.s32 @!p0 $0x1082;
	s9 =	sld [smem:$0x3FAB]  }
0x2f: {  	lr =	sadd.s32 s0, s3;
	s0 =	sld [smem:$0x3FA2]  }
0x30: {  	s3 =	sld [smem:$0x3FA5]  }
0x31: {  	[smem:$0x3FAE] =	sst s10  }
0x32: {  	s10 =	sld [smem:$0x3FAC];
	_ =	sdelay $0x3  }
0x33: {  	p0 =	seq.s32 s10, $0x1;
	s10 =	sld [smem:$0x3FAE];
	_ =	sdelay $0x3  }
0x34: {  	[smem:$0x3FAE] =	sst s10  }
0x35: {  	s10 =	sld [smem:$0x3FAD];
	_ =	sdelay $0x3  }
0x36: {  	p1 =	seq.s32 s10, $0x1;
	s10 =	sld [smem:$0x3FAE];
	_ =	sdelay $0x3  }
0x37: {  	[smem:$0x3FAE] =	sst s10  }
0x38: {  	s10 =	sld [smem:$0x3FAF]  }
0x39: {  	_ = 	snop;
	(pc) =	sbr.ind lr, $3  }
0x3a: {  	_ = 	snop  }
0x3b: {  	_ = 	snop  }
0x3c: {  	p2 =	seq.s32 s10, $0x1;
	s10 =	sld [smem:$0x3FAE]  }
0x3d: {  	_ =	shalt  }
0x3e: {  	_ =	shalt  }
0x3f: {  	_ =	shalt  }
0x40: {  	_ =	shalt  }
0x41: {  	_ =	shalt  }
0x42: {  	_ =	shalt  }
0x43: {  	_ =	shalt  }
0x44: {  	_ =	shalt  }
0x45: {  	_ =	shalt  }
0x46: {  	_ =	shalt  }
0x47: {  	_ =	shalt  }
0x48: {  	_ =	shalt  }
0x49: {  	_ =	shalt  }
0x4a: {  	_ =	shalt  }
0x4b: {  	_ =	shalt  }
0x4c: {  	_ =	shalt  }
0x4d: {  	_ =	shalt  }
0x4e: {  	_ =	shalt  }
0x4f: {  	_ =	shalt  }
0x50: {  	_ =	shalt  }
0x51: {  	_ =	shalt  }
0x52: {  	_ =	shalt  }
0x53: {  	_ =	shalt  }
0x54: {  	_ =	shalt  }
0x55: {  	_ =	shalt  }
0x56: {  	_ =	shalt  }
0x57: {  	_ =	shalt  }
0x58: {  	_ =	shalt  }
0x59: {  	_ =	shalt  }
0x5a: {  	_ =	shalt  }
0x5b: {  	_ =	shalt  }
0x5c: {  	_ =	shalt  }
0x5d: {  	_ =	shalt  }
0x5e: {  	_ =	shalt  }
0x5f: {  	_ =	shalt  }
0x60: {  	_ =	shalt  }
0x61: {  	_ =	shalt  }
0x62: {  	_ =	shalt  }
0x63: {  	_ =	shalt  }
0x64: {  	_ =	shalt  }
0x65: {  	_ =	shalt  }
0x66: {  	_ =	shalt  }
0x67: {  	_ =	shalt  }
0x68: {  	_ =	shalt  }
0x69: {  	_ =	shalt  }
0x6a: {  	_ =	shalt  }
0x6b: {  	_ =	shalt  }
0x6c: {  	_ =	shalt  }
0x6d: {  	_ =	shalt  }
0x6e: {  	_ =	shalt  }
0x6f: {  	_ =	shalt  }
0x70: {  	_ =	shalt  }
0x71: {  	_ =	shalt  }
0x72: {  	_ =	shalt  }
0x73: {  	_ =	shalt  }
0x74: {  	_ =	shalt  }
0x75: {  	_ =	shalt  }
0x76: {  	_ =	shalt  }
0x77: {  	_ =	shalt  }
0x78: {  	_ =	shalt  }
0x79: {  	_ =	shalt  }
0x7a: {  	_ =	shalt  }
0x7b: {  	_ =	shalt  }
0x7c: {  	_ =	shalt  }
0x7d: {  	_ =	shalt  }
0x7e: {  	_ =	shalt  }
0x7f: {  	_ =	shalt  }
0x80: {  	_ =	shalt  }
0x81: {  	_ =	shalt  }
0x82: {  	_ =	shalt  }
0x83: {  	_ =	shalt  }
0x84: {  	_ =	shalt  }
0x85: {  	_ =	shalt  }
0x86: {  	_ =	shalt  }
0x87: {  	_ =	shalt  }
.Lfunc_end0:
.L_simem_size_0:
called_computation_lowered:
.L_overlay_start_0:
0x88: {  	s2 =	sld [smem:$0x3FD9]  }
0x89: {  	s3 =	sld [smem:$0x3FFE];
	_ =	sdelay $0x1  }
0x8a: {  	s1 =	srdreg.scid  }
0x8b: {  	s0 =	sand.u32 $0x1, s1  }
0x8c: {  	s16 =	sshll.u32 s0, $0xA;
	s2 =	sadd.s32 s3, s2  }
0x8d: {  	s2 =	sadd.s32 s2, s16  }
0x8e: {  	[smem:$0x3FBA] =	sst s2  }
0x8f: {  	_ = 	snop  }
0x90: {  	(tm) =	ssettm $0x1  }
0x91: {  	s17 =	sld [smem:$0x3FFB];
	_ =	sdelay $0x3  }
0x92: {  	_ =	strace s17  }
0x93: {  	s2 =	sld [smem:$0x3FFC];
	_ =	sdelay $0x3  }
0x94: {  	_ =	strace s2  }
0x95: {  	s2 =	sld [smem:$0x3FFD];
	_ =	sdelay $0x3  }
0x96: {  	_ =	strace s2  }
0x97: {  	_ =	strace $0x8FFFFFFF  }
0x98: {  	s18 =	sld [smem:$0x3FDB];
	_ =	sdelay $0x1  }
0x99: {  	s19 =	simm.s32 $_scs_section_size  }
0x9a: {  	s4 =	simm.s32 $_size__tile_overlayer_lowered;
	s5 =	simm.s32 $_tile_overlayer_lowered  }
0x9b: {  	s22 =	simm.s32 $0x1BFF;
	s21 =	sshll.u32 s5, $0x1;
	s2 =	sadd.s32 s19, s18  }
0x9c: {  	s6 =	simm.s32 $0x0;
	s20 =	sshll.u32 s4, $0x1;
	s4 =	sadd.s32 s21, s2  }
0x9d: {  	[timem:s6], [sflag:s22] =	dma.local [hbm:s4], s20  }
0x9e: {  	_ =	swait.ge [sflag:s22], s20  }
0x9f: {  	s3 =	ssub.s32 $0x0, s20;
	[sflag:s22] =	ssyncset.done $0x0  }
0xa0: {  	[sflag:s22] =	ssyncadd.s32 s3;
	_ =	sdelay $0x1  }
0xa1: {  	s23 =	simm.s32 $0x1B8B  }
0xa2: {  	_ =	swait.ge [sflag:s23], $0x1  }
0xa3: {  	[sflag:s23] =	ssyncset.done $0x0  }
0xa4: {  	s25 =	simm.s32 $0x1B8E;
	s24 =	sld [smem:$0x3FFE];
	[sflag:s23] =	ssyncadd.s32 $0xFFFFFFFF  }
0xa5: {  	s26 =	simm.s32 $execute0_lowered;
	[smem:$0x3FD2] =	sst s25  }
0xa6: {  	s4 =	sshll.u32 s26, $0x1;
	_ =	strace $0x80000046;
	[dreg:$0x1] =	wrdreg $0xFFFFFFFF  }
0xa7: {  	s28 =	simm.s32 $_size_execute0_lowered;
	s2 =	sadd.s32 s2, s4;
	[dreg:$0x0] =	wrdreg $0x0  }
0xa8: {  	s4 =	sshll.u32 s28, $0x1;
	[dreg:$0x2] =	wrdreg s2  }
0xa9: {  	[dreg:$0x3] =	wrdreg s4  }
0xaa: {  	[dreg:$0x4] =	wrdreg $0xC0  }
0xab: {  	_ =	task [dreg:s6], $0x5FFFF  }
0xac: {  	[dreg:$0x1] =	wrdreg $0xFFFFFFFF  }
0xad: {  	[dreg:$0x0] =	wrdreg $0x60  }
0xae: {  	[dreg:$0x2] =	wrdreg s24  }
0xaf: {  	[dreg:$0x3] =	wrdreg $0x0  }
0xb0: {  	[dreg:$0x4] =	wrdreg $0x9  }
0xb1: {  	_ =	task.clear_ibuf [dreg:s6], $0x5FFFF;
	_ =	strace $0x90000046  }
0xb2: {  	s29 =	simm.s32 $0x9;
	_ =	strace $0x80000048  }
0xb3: {  	_ =	swait.ge [sflag:s29], $0x1  }
0xb4: {  	[sflag:s29] =	ssyncadd.s32 $0xFFFFFFFF  }
0xb5: {  	_ =	strace $0x90000048  }
0xb6: {  	_ =	sfence  }
0xb7: {  	s30 =	sld [smem:$0x0];
	_ =	sdelay $0x2  }
0xb8: {  	s31 =	sshll.u32 s1, $0xD;
	s1 =	sshrl.u32 s1, $0x2  }
0xb9: {  	s3 =	sand.u32 $0x4000, s31;
	s1 =	sadd.s32 s1, s30  }
0xba: {  	s0 =	sor.u32 s3, s0;
	s1 =	sshll.u32 s1, $0x11  }
0xbb: {  	s0 =	sor.u32 s1, s0  }
0xbc: {  	s0 =	sadd.s32 $0x8F2B, s0  }
0xbd: {  	[sflag:s0] =	ssyncadd.remote.s32 $0x1  }
0xbe: {  	_ =	sfence.sel $0xFFFF  }
0xbf: {  	[dreg:$0x0] =	wrdreg $0xFFFFFFFF;
	(pc) =	sbr.abs _section_cstart, $3  }
0xc0: {  	[dreg:$0x1] =	wrdreg $0xFFFFFFFF  }
0xc1: {  	_ =	task.clear_ibuf [dreg:s6], $0x2FFFF;
	_ =	strace $0x9FFFFFFF  }
0xc2: {  	(tm) =	ssettm $0x7FFFFFFF  }
0xc3: {  	_ =	shalt  }
tec
execute0_lowered:
.L_overlay_start_1:
0x0: {  	(tag) =	ssettag $0x1  }
0x1: {  	s6 =	rddreg [dreg:$0x0]  }
0x2: {  	s0 =	srdreg.scid;
	s2 =	rddreg [dreg:$0x1];
	s3 =	simm.s32 $0x0  }
0x3: {  	s12 =	simm.s32 $0x2A80;
	s13 =	simm.s32 $0x50;
	s14 =	simm.s32 $0x5200  }
0x4: {  	s16 =	simm.s32 $0x0;
	s5 =	sand.u32 $0x1, s0;
	s0 =	stileid.u32  }
0x5: {  	[smem:$0x7FF] =	sst s3;
	s1 =	sshll.u32 s5, $0x4;
	s7 =	smul.u32 $0x2800, s5  }
0x6: {  	s8 =	sshll.u32 s0, $0xA;
	s5 =	ssub.s32 $0x2, s5;
	s10 =	sshll.u32 s0, $0x6  }
0x7: {  	p0 =	sgt.u32 s0, $0x9;
	s1 =	sor.u32 s0, s1;
	s31 =	sshrl.u32 s5, $0x1  }
0x8: {  	s15 =	sadd.s32 s8, s2;
	s4 =	smul.u32 $0x4F0, s1;
	s1 =	rddreg [dreg:$0x2]  }
0x9: {  	_ =	strace $0x80000047;
	s7 =	sadd.s32 s7, s8;
	s11 =	ssub.s32 s5, s31  }
0xa: {  	s5 =	sor.u32 $0x1C01, s10;
	s10 =	simm.s32 $0x1;
	s15 =	sshrl.u32 @!p0 s15, $0x3  }
0xb: {  	v0 =	vlaneseq.u32;
	s7 =	sshrl.u32 s7, $0x3;
	s8 =	smax.u32 s11, $0x1;
	s11 =	simm.s32 $0x280  }
0xc: {  	v5 =	vimm.f32 $1.000000000e+00;
	v1 =	vor.u32 $0x10, v0;
	s9 =	sadd.s32 s4, s6;
	s4 =	sadd.s32 $0xD600, s6;
	s7 =	sadd.s32 s7, s6  }
0xd: {  	v2 =	vor.u32 $0x20, v0;
	v3 =	vor.u32 $0x30, v0;
	v4 =	vor.u32 $0x40, v0;
	s6 =	sadd.s32 $0x3800, s9;
	s7 =	sadd.s32 $0xDC00, s7;
	s9 =	sshrl.u32 s2, $0x3  }
.LBB2_1:
0xe: {  	[spmem:s9], [sflag:s5] =	dma.local [hbm:s4], $0x500  }
0xf: {  	_ =	swait.ge [sflag:s10], $0x500  }
0x10: {  	[sflag:s10] =	ssyncset.done $0x0  }
0x11: {  	[sflag:s10] =	ssyncadd.s32 $0xFFFFFB00  }
0x12: {  	[tilespmem:s11], [sflag:$0x1] =	stream.linear.gather [hbm4b:s4+s3], $0x2800, $0x38;
	[tilespmem:$0x5280] =	vst v63  }
0x13: {  	_ =	swait.ge [sflag:s10], $0x2800  }
0x14: {  	[sflag:s10] =	ssyncset.done $0x0  }
0x15: {  	[sflag:s10] =	ssyncadd.s32 $0xFFFFD800  }
0x16: {  	[tilespmem:s12], [sflag:$0x1] =	stream.linear.gather [hbm4b:s6+s3], $0x2780, $0x38;
	[tilespmem:$0x5280] =	vst v63  }
0x17: {  	_ =	swait.ge [sflag:s10], $0x2780  }
0x18: {  	[sflag:s10] =	ssyncset.done $0x0  }
0x19: {  	[sflag:s10] =	ssyncadd.s32 $0xFFFFD880  }
0x1a: {  	[tilespmem:$0x5200] =	vst v0  }
0x1b: {  	[tilespmem:$0x5210] =	vst v1  }
0x1c: {  	[tilespmem:$0x5220] =	vst v2  }
0x1d: {  	[tilespmem:$0x5230] =	vst v3  }
0x1e: {  	[tilespmem:$0x5240] =	vst v4  }
0x1f: {  	s18 =	simm.s32 $0x0;
	s17 =	simm.s32 $0x40;
	[bflag:$0x0] =	sbarrier.arrive $0xFFFF  }
.LBB2_2:
0x20: {  	p1 =	sne.s32 s17, $0x9DC0;
	v6 =	vld [tilespmem:s18+$0x2A80];
	_ =	sdelay $0x3  }
.Ltmp0:
0x21: {  	(pc) =	sbr.rel @p1 .LBB2_2-.Ltmp0, $2  }
0x22: {  	_ =	sdelay $0x2  }
0x23: {  	s18 =	sshra.s32 s17, $0x2;
	s17 =	sadd.s32 $0x40, s17;
	[tilespmem:v6+s11+$0x0] =	vst.idx.add.f32.msk $0xffff, v5  }
0x24: {  	v6 =	vld [tilespmem:s18+$0x2A80];
	_ =	sdelay $0x7  }
0x25: {  	[tilespmem:v6+s11+$0x0] =	vst.idx.add.f32.msk $0xffff, v5  }
0x26: {  	[spmem:s2] =	stream.indirect.scatter.add.f32 [tilespmem:s11], [sflag:$0x1], $0x80, s14, s13, $0xb8;
	[tilespmem:$0x5280] =	vst v63  }
0x27: {  	_ =	swait.ge [sflag:s10], $0x2800  }
0x28: {  	s16 =	sadd.s32 $0x1, s16;
	[sflag:s10] =	ssyncset.done $0x0  }
0x29: {  	p1 =	sne.s32 s16, s8;
	[sflag:s10] =	ssyncadd.s32 $0xFFFFD800  }
.Ltmp1:
0x2a: {  	s17 =	simm.s32 @!p0 $0x1;
	[bflag:$0x0] =	sbarrier.arrive $0xFFFF;
	(pc) =	sbr.rel @p1 .LBB2_1-.Ltmp1, $4  }
0x2b: {  	[hbm:s7], [sflag:s5] =	dma.local @!p0 [spmem:s15], $0x80  }
0x2c: {  	_ =	swait.ge @!p0 [sflag:s17], $0x80  }
0x2d: {  	[sflag:s17] =	ssyncset.done @!p0 $0x0  }
0x2e: {  	[sflag:s17] =	ssyncadd.s32 @!p0 $0xFFFFFF80  }
0x2f: {  	_ =	sfence.sel $0x180000  }
0x30: {  	[bflag:$0x0] =	sbarrier.arrive $0xFFFF  }
0x31: {  	p0 =	sne.s32 s0, $0x0;
	_ =	strace $0x90000047  }
0x32: {  	s0 =	sadd.s32 @!p0 $0x100000, s1;
	[bflag:$0x2] =	sbarrier.arrive $0xFFFF  }
0x33: {  	[sflag:s0] =	ssyncadd.tile.s32 @!p0 $0x1;
	_ =	shalt  }
.Lfunc_end2:
_tile_overlayer_lowered:
.L_overlay_start_2:
0x34: {  	(tag) =	ssettag $0x2  }
0x35: {  	s0 =	rddreg [dreg:$0x0];
	s2 =	stileid.u32  }
0x36: {  	s1 =	rddreg [dreg:$0x1];
	p0 =	sne.s32 s2, $0x0  }
0x37: {  	s3 =	rddreg [dreg:$0x2];
	[bflag:$0x3] =	sbarrier.arrive $0xFFFF;
	s2 =	simm.s32 @!p0 $0x1C01  }
0x38: {  	[timem:s3], [sflag:s2] =	dma.local @!p0 [hbm:s0], s1  }
0x39: {  	s0 =	simm.s32 @!p0 $0x1  }
0x3a: {  	_ =	swait.ge @!p0 [sflag:s0], s1  }
0x3b: {  	s1 =	ssub.s32 @!p0 $0x0, s1;
	[sflag:s0] =	ssyncset.done @!p0 $0x0  }
0x3c: {  	[sflag:s0] =	ssyncadd.s32 @!p0 s1  }
0x3d: {  	[bflag:$0x3] =	sbarrier.arrive $0xFFFF  }
0x3e: {  	_ =	shalt  }

// kernel: kernel.13.cloned.1.call-start
scs
__scs_entry_jumppad:
0x0: {  	(pc) =	sbr.rel $0x88, $3  }
0x1: {  	(tag) =	ssettag $0x0;
	lr =	simm.s32 $0x1  }
0x2: {  	[smem:$0x3F93] =	sst lr;
	_ =	strace $0xD0000000  }
0x3: {  	_ = 	snop  }
0x4: {  	_ = 	snop  }
0x5: {  	_ = 	snop  }
0x6: {  	_ = 	snop  }
0x7: {  	_ = 	snop  }
__scs_overlays_trampoline_lowered:
0x8: {  	[smem:$0x3FA2] =	sst s0  }
0x9: {  	[smem:$0x3FA3] =	sst s1  }
0xa: {  	[smem:$0x3FA4] =	sst s2  }
0xb: {  	[smem:$0x3FA5] =	sst s3  }
0xc: {  	[smem:$0x3FA6] =	sst s4  }
0xd: {  	[smem:$0x3FA7] =	sst s5  }
0xe: {  	[smem:$0x3FA8] =	sst s6  }
0xf: {  	[smem:$0x3FA9] =	sst s7  }
0x10: {  	[smem:$0x3FAA] =	sst s8  }
0x11: {  	[smem:$0x3FAB] =	sst s9;
	s0 =	simm.s32 @!p0 $0x0  }
0x12: {  	s1 =	sld [smem:$0x3F91];
	s0 =	simm.s32 @p0 $0x1  }
0x13: {  	[smem:$0x3FAC] =	sst s0;
	s0 =	simm.s32 @!p1 $0x0  }
0x14: {  	s2 =	sld [smem:$0x3F90];
	s0 =	simm.s32 @p1 $0x1  }
0x15: {  	[smem:$0x3FAD] =	sst s0;
	s0 =	simm.s32 @!p2 $0x0  }
0x16: {  	s3 =	sld [smem:$0x3FDB];
	s0 =	simm.s32 @p2 $0x1  }
0x17: {  	s4 =	simm.s32 $0x1BF5;
	[smem:$0x3FAF] =	sst s0  }
0x18: {  	s0 =	sld [smem:$0x3F92];
	_ =	swait.ge [sflag:s4], $0x0  }
0x19: {  	s7 =	sld [smem:$0x3F93]  }
0x1a: {  	s8 =	sadd.s32 $0xFFFFE003, lr  }
0x1b: {  	s9 =	sadd.s32 $0xFFFFFEF7, lr;
	s5 =	simm.s32 $0xFFFFFFFF;
	p2 =	slt.u32 s8, $0xFFFFF086  }
0x1c: {  	p1 =	slt.u32 s9, $0xF7A;
	s5 =	simm.s32 @!p2 $0x0  }
0x1d: {  	s5 =	simm.s32 @p1 $0x1;
	p0 =	seq.s32 s7, s2  }
0x1e: {  	s7 =	smul.u32 @!p0 $0xF7A, s2;
	p2 =	seq.s32 @!p0 s5, $0x0  }
0x1f: {  	s9 =	smul.u32 $0xF7A, s1;
	s8 =	simm.s32 @!p0 $0x1BF5;
	p2 =	por !p2, p0  }
0x20: {  	[sflag:s8] =	ssyncset.s32 @!p0 $0xFFFFF086;
	s6 =	sadd.s32 @!p0 s3, s7;
	s7 =	simm.s32 @!p0 $0x108  }
0x21: {  	s3 =	sadd.s32 s3, s9;
	s6 =	sadd.s32 @!p0 $0x88, s6;
	s7 =	simm.s32 @p2 $0x1082  }
0x22: {  	[simem:s7], [sflag:s8] =	dma.local @!p0 [hbm:s6], $0xF7A  }
0x23: {  	s9 =	sor.u32 $0xD0000000, s2;
	s6 =	simm.s32 $0x108;
	_ =	swait.ge @!p0 [sflag:s8], $0x0  }
0x24: {  	s3 =	sadd.s32 $0x88, s3;
	s6 =	simm.s32 @!p1 $0x1082;
	[sflag:s4] =	ssyncset.s32 $0xFFFFF086  }
0x25: {  	[simem:s6], [sflag:s4] =	dma.local [hbm:s3], $0xF7A  }
0x26: {  	[smem:$0x3F93] =	sst s1;
	(tag) =	ssettag s2;
	_ =	strace s9  }
0x27: {  	s1 =	sld [smem:$0x3FA3]  }
0x28: {  	s2 =	sld [smem:$0x3FA4]  }
0x29: {  	s4 =	sld [smem:$0x3FA6]  }
0x2a: {  	p0 =	seq.s32 s5, $0x0;
	s5 =	sld [smem:$0x3FA7]  }
0x2b: {  	s6 =	sld [smem:$0x3FA8]  }
0x2c: {  	s7 =	sld [smem:$0x3FA9]  }
0x2d: {  	s3 =	simm.s32 $0x108;
	s8 =	sld [smem:$0x3FAA]  }
0x2e: {  	s3 =	simm.s32 @!p0 $0x1082;
	s9 =	sld [smem:$0x3FAB]  }
0x2f: {  	lr =	sadd.s32 s0, s3;
	s0 =	sld [smem:$0x3FA2]  }
0x30: {  	s3 =	sld [smem:$0x3FA5]  }
0x31: {  	[smem:$0x3FAE] =	sst s10  }
0x32: {  	s10 =	sld [smem:$0x3FAC];
	_ =	sdelay $0x3  }
0x33: {  	p0 =	seq.s32 s10, $0x1;
	s10 =	sld [smem:$0x3FAE];
	_ =	sdelay $0x3  }
0x34: {  	[smem:$0x3FAE] =	sst s10  }
0x35: {  	s10 =	sld [smem:$0x3FAD];
	_ =	sdelay $0x3  }
0x36: {  	p1 =	seq.s32 s10, $0x1;
	s10 =	sld [smem:$0x3FAE];
	_ =	sdelay $0x3  }
0x37: {  	[smem:$0x3FAE] =	sst s10  }
0x38: {  	s10 =	sld [smem:$0x3FAF]  }
0x39: {  	_ = 	snop;
	(pc) =	sbr.ind lr, $3  }
0x3a: {  	_ = 	snop  }
0x3b: {  	_ = 	snop  }
0x3c: {  	p2 =	seq.s32 s10, $0x1;
	s10 =	sld [smem:$0x3FAE]  }
0x3d: {  	_ =	shalt  }
0x3e: {  	_ =	shalt  }
0x3f: {  	_ =	shalt  }
0x40: {  	_ =	shalt  }
0x41: {  	_ =	shalt  }
0x42: {  	_ =	shalt  }
0x43: {  	_ =	shalt  }
0x44: {  	_ =	shalt  }
0x45: {  	_ =	shalt  }
0x46: {  	_ =	shalt  }
0x47: {  	_ =	shalt  }
0x48: {  	_ =	shalt  }
0x49: {  	_ =	shalt  }
0x4a: {  	_ =	shalt  }
0x4b: {  	_ =	shalt  }
0x4c: {  	_ =	shalt  }
0x4d: {  	_ =	shalt  }
0x4e: {  	_ =	shalt  }
0x4f: {  	_ =	shalt  }
0x50: {  	_ =	shalt  }
0x51: {  	_ =	shalt  }
0x52: {  	_ =	shalt  }
0x53: {  	_ =	shalt  }
0x54: {  	_ =	shalt  }
0x55: {  	_ =	shalt  }
0x56: {  	_ =	shalt  }
0x57: {  	_ =	shalt  }
0x58: {  	_ =	shalt  }
0x59: {  	_ =	shalt  }
0x5a: {  	_ =	shalt  }
0x5b: {  	_ =	shalt  }
0x5c: {  	_ =	shalt  }
0x5d: {  	_ =	shalt  }
0x5e: {  	_ =	shalt  }
0x5f: {  	_ =	shalt  }
0x60: {  	_ =	shalt  }
0x61: {  	_ =	shalt  }
0x62: {  	_ =	shalt  }
0x63: {  	_ =	shalt  }
0x64: {  	_ =	shalt  }
0x65: {  	_ =	shalt  }
0x66: {  	_ =	shalt  }
0x67: {  	_ =	shalt  }
0x68: {  	_ =	shalt  }
0x69: {  	_ =	shalt  }
0x6a: {  	_ =	shalt  }
0x6b: {  	_ =	shalt  }
0x6c: {  	_ =	shalt  }
0x6d: {  	_ =	shalt  }
0x6e: {  	_ =	shalt  }
0x6f: {  	_ =	shalt  }
0x70: {  	_ =	shalt  }
0x71: {  	_ =	shalt  }
0x72: {  	_ =	shalt  }
0x73: {  	_ =	shalt  }
0x74: {  	_ =	shalt  }
0x75: {  	_ =	shalt  }
0x76: {  	_ =	shalt  }
0x77: {  	_ =	shalt  }
0x78: {  	_ =	shalt  }
0x79: {  	_ =	shalt  }
0x7a: {  	_ =	shalt  }
0x7b: {  	_ =	shalt  }
0x7c: {  	_ =	shalt  }
0x7d: {  	_ =	shalt  }
0x7e: {  	_ =	shalt  }
0x7f: {  	_ =	shalt  }
0x80: {  	_ =	shalt  }
0x81: {  	_ =	shalt  }
0x82: {  	_ =	shalt  }
0x83: {  	_ =	shalt  }
0x84: {  	_ =	shalt  }
0x85: {  	_ =	shalt  }
0x86: {  	_ =	shalt  }
0x87: {  	_ =	shalt  }
.Lfunc_end0:
.L_simem_size_0:
called_computation.1_lowered:
.L_overlay_start_0:
0x88: {  	s2 =	sld [smem:$0x3FD9]  }
0x89: {  	s3 =	sld [smem:$0x3FFE];
	_ =	sdelay $0x1  }
0x8a: {  	s1 =	srdreg.scid  }
0x8b: {  	s0 =	sand.u32 $0x1, s1  }
0x8c: {  	s17 =	sshll.u32 s0, $0xA;
	s2 =	sadd.s32 s3, s2  }
0x8d: {  	s2 =	sadd.s32 s2, s17  }
0x8e: {  	[smem:$0x3FBA] =	sst s2  }
0x8f: {  	_ = 	snop  }
0x90: {  	(tm) =	ssettm $0x1  }
0x91: {  	s18 =	sld [smem:$0x3FFB];
	_ =	sdelay $0x3  }
0x92: {  	_ =	strace s18  }
0x93: {  	s2 =	sld [smem:$0x3FFC];
	_ =	sdelay $0x3  }
0x94: {  	_ =	strace s2  }
0x95: {  	s2 =	sld [smem:$0x3FFD];
	_ =	sdelay $0x3  }
0x96: {  	_ =	strace s2  }
0x97: {  	_ =	strace $0x8FFFFFFF  }
0x98: {  	s19 =	sld [smem:$0x3FDB];
	_ =	sdelay $0x1  }
0x99: {  	s20 =	simm.s32 $_scs_section_size  }
0x9a: {  	s4 =	simm.s32 $_size__tile_overlayer_lowered;
	s5 =	simm.s32 $_tile_overlayer_lowered  }
0x9b: {  	s6 =	simm.s32 $0x1BFF;
	s21 =	sshll.u32 s5, $0x1;
	s3 =	sadd.s32 s20, s19  }
0x9c: {  	s22 =	simm.s32 $0x0;
	s4 =	sshll.u32 s4, $0x1;
	s5 =	sadd.s32 s21, s3  }
0x9d: {  	[timem:s22], [sflag:s6] =	dma.local [hbm:s5], s4  }
0x9e: {  	_ =	swait.ge [sflag:s6], s4  }
0x9f: {  	s4 =	ssub.s32 $0x0, s4;
	[sflag:s6] =	ssyncset.done $0x0  }
0xa0: {  	[sflag:s6] =	ssyncadd.s32 s4;
	_ =	sdelay $0x1  }
0xa1: {  	s23 =	simm.s32 $0x1B8B  }
0xa2: {  	_ =	swait.ge [sflag:s23], $0x1  }
0xa3: {  	[sflag:s23] =	ssyncset.done $0x0  }
0xa4: {  	[sflag:s23] =	ssyncadd.s32 $0xFFFFFFFF  }
0xa5: {  	s4 =	sld [smem:$0x0]  }
0xa6: {  	s5 =	sand.u32 $0xFFFFFFFE, s1  }
0xa7: {  	p0 =	sne.s32 s1, s5  }
0xa8: {  	s5 =	sshll.u32 @p0 s5, $0xE  }
0xa9: {  	s5 =	sadd.s32 @p0 $0x11B8D, s5;
	s6 =	sshll.u32 @p0 s4, $0x11  }
0xaa: {  	s5 =	sor.u32 @p0 s6, s5  }
0xab: {  	[sflag:s5] =	ssyncadd.remote.s32 @p0 $0x1;
	_ =	sdelay $0x1  }
0xac: {  	s5 =	simm.s32 @p0 $0x1B8D  }
0xad: {  	_ =	swait.eq @p0 [sflag:s5], $0x1  }
0xae: {  	[sflag:s5] =	ssyncadd.s32 @p0 $0xFFFFFFFF  }
0xaf: {  	s6 =	sshll.u32 @!p0 s1, $0xE  }
0xb0: {  	s6 =	sor.u32 @!p0 $0x4000, s6;
	s5 =	simm.s32 @!p0 $0x1B8D  }
0xb1: {  	s4 =	sshll.u32 @!p0 s4, $0x11;
	s6 =	sadd.s32 @!p0 $0x11B8D, s6;
	_ =	swait.eq @!p0 [sflag:s5], $0x1  }
0xb2: {  	s4 =	sor.u32 @!p0 s4, s6;
	[sflag:s5] =	ssyncadd.s32 @!p0 $0xFFFFFFFF  }
0xb3: {  	s25 =	simm.s32 $0x1B8E;
	s24 =	sld [smem:$0x3FFE];
	[sflag:s4] =	ssyncadd.remote.s32 @!p0 $0x1  }
0xb4: {  	s26 =	simm.s32 $execute0_lowered;
	[smem:$0x3FD2] =	sst s25  }
0xb5: {  	s5 =	sshll.u32 s26, $0x1;
	_ =	strace $0x8000004C;
	[dreg:$0x1] =	wrdreg $0xFFFFFFFF  }
0xb6: {  	s28 =	simm.s32 $_size_execute0_lowered;
	s3 =	sadd.s32 s3, s5;
	[dreg:$0x0] =	wrdreg $0x0  }
0xb7: {  	s5 =	sshll.u32 s28, $0x1;
	[dreg:$0x2] =	wrdreg s3  }
0xb8: {  	[dreg:$0x3] =	wrdreg s5  }
0xb9: {  	[dreg:$0x4] =	wrdreg $0xC0  }
0xba: {  	_ =	task [dreg:s22], $0x5FFFF  }
0xbb: {  	[dreg:$0x1] =	wrdreg $0xFFFFFFFF  }
0xbc: {  	[dreg:$0x0] =	wrdreg $0x60  }
0xbd: {  	[dreg:$0x2] =	wrdreg s24  }
0xbe: {  	[dreg:$0x3] =	wrdreg $0x0  }
0xbf: {  	[dreg:$0x4] =	wrdreg $0x9  }
0xc0: {  	_ =	task.clear_ibuf [dreg:s22], $0x5FFFF;
	_ =	strace $0x9000004C  }
0xc1: {  	s29 =	simm.s32 $0x9;
	_ =	strace $0x8000004E  }
0xc2: {  	_ =	swait.ge [sflag:s29], $0x1  }
0xc3: {  	[sflag:s29] =	ssyncadd.s32 $0xFFFFFFFF  }
0xc4: {  	_ =	strace $0x9000004E  }
0xc5: {  	_ =	sfence  }
0xc6: {  	s30 =	sld [smem:$0x0];
	_ =	sdelay $0x2  }
0xc7: {  	s31 =	sshll.u32 s1, $0xD;
	s1 =	sshrl.u32 s1, $0x2  }
0xc8: {  	s4 =	sand.u32 $0x4000, s31;
	s1 =	sadd.s32 s1, s30  }
0xc9: {  	s0 =	sor.u32 s4, s0;
	s1 =	sshll.u32 s1, $0x11  }
0xca: {  	s0 =	sor.u32 s1, s0  }
0xcb: {  	s0 =	sadd.s32 $0x8F2B, s0  }
0xcc: {  	[sflag:s0] =	ssyncadd.remote.s32 $0x1  }
0xcd: {  	_ =	sfence.sel $0xFFFF  }
0xce: {  	[dreg:$0x0] =	wrdreg $0xFFFFFFFF;
	(pc) =	sbr.abs _section_cstart, $3  }
0xcf: {  	[dreg:$0x1] =	wrdreg $0xFFFFFFFF  }
0xd0: {  	_ =	task.clear_ibuf [dreg:s22], $0x2FFFF;
	_ =	strace $0x9FFFFFFF  }
0xd1: {  	(tm) =	ssettm $0x7FFFFFFF  }
tec
execute0_lowered:
.L_overlay_start_1:
0x0: {  	(tag) =	ssettag $0x1  }
0x1: {  	s0 =	srdreg.scid;
	s7 =	rddreg [dreg:$0x0]  }
0x2: {  	s2 =	rddreg [dreg:$0x1];
	s3 =	simm.s32 $0x0;
	s13 =	simm.s32 $0x2A80  }
0x3: {  	s14 =	simm.s32 $0x280;
	s15 =	simm.s32 $0x5280;
	s16 =	simm.s32 $0x7A00  }
0x4: {  	s17 =	simm.s32 $0x50;
	s18 =	simm.s32 $0xA180;
	s20 =	simm.s32 $0x0  }
0x5: {  	s6 =	sand.u32 $0x1, s0;
	s0 =	stileid.u32;
	[smem:$0x7FF] =	sst s3  }
0x6: {  	s1 =	sshll.u32 s6, $0x4;
	s8 =	smul.u32 $0x2800, s6;
	s9 =	sshll.u32 s0, $0xA  }
0x7: {  	s6 =	ssub.s32 $0x2, s6;
	s31 =	sshll.u32 s0, $0x6;
	p0 =	sgt.u32 s0, $0x9  }
0x8: {  	s4 =	sor.u32 s0, s1;
	s1 =	rddreg [dreg:$0x2];
	_ =	strace $0x8000004D  }
0x9: {  	s30 =	sshrl.u32 s6, $0x1;
	s19 =	sadd.s32 s9, s2;
	s5 =	smul.u32 $0x4F0, s4  }
0xa: {  	s4 =	sadd.s32 $0xDC00, s7;
	s8 =	sadd.s32 s8, s9;
	s12 =	ssub.s32 s6, s30  }
0xb: {  	s6 =	sor.u32 $0x1C01, s31;
	s19 =	sshrl.u32 @!p0 s19, $0x3;
	s8 =	sshrl.u32 s8, $0x3  }
0xc: {  	v0 =	vlaneseq.u32;
	s10 =	sadd.s32 s5, s7;
	s5 =	sadd.s32 $0xD600, s7;
	s11 =	sadd.s32 s8, s7  }
0xd: {  	v1 =	vor.u32 $0x10, v0;
	s7 =	sadd.s32 $0xE600, s10;
	s8 =	sadd.s32 $0x3800, s10;
	s9 =	sadd.s32 $0x92C00, s11  }
0xe: {  	v2 =	vor.u32 $0x20, v0;
	v3 =	vor.u32 $0x30, v0;
	v4 =	vor.u32 $0x40, v0;
	s10 =	smax.u32 s12, $0x1;
	s11 =	sshrl.u32 s2, $0x3;
	s12 =	simm.s32 $0x1  }
.LBB2_1:
0xf: {  	[spmem:s11], [sflag:s6] =	dma.local [hbm:s5], $0x500  }
0x10: {  	_ =	swait.ge [sflag:s12], $0x500  }
0x11: {  	[sflag:s12] =	ssyncset.done $0x0  }
0x12: {  	[sflag:s12] =	ssyncadd.s32 $0xFFFFFB00  }
0x13: {  	[tilespmem:s13], [sflag:$0x1] =	stream.linear.gather [hbm4b:s5+s3], $0x2800, $0x38;
	[tilespmem:$0xA200] =	vst v63  }
0x14: {  	_ =	swait.ge [sflag:s12], $0x2800  }
0x15: {  	[sflag:s12] =	ssyncset.done $0x0  }
0x16: {  	[sflag:s12] =	ssyncadd.s32 $0xFFFFD800  }
0x17: {  	[tilespmem:s14], [sflag:$0x1] =	stream.linear.gather [hbm4b:s4+s3], $0x2800, $0x38;
	[tilespmem:$0xA200] =	vst v63  }
0x18: {  	_ =	swait.ge [sflag:s12], $0x2800  }
0x19: {  	[sflag:s12] =	ssyncset.done $0x0  }
0x1a: {  	[sflag:s12] =	ssyncadd.s32 $0xFFFFD800  }
0x1b: {  	[tilespmem:s15], [sflag:$0x1] =	stream.linear.gather [hbm4b:s7+s3], $0x2780, $0x38;
	[tilespmem:$0xA200] =	vst v63  }
0x1c: {  	_ =	swait.ge [sflag:s12], $0x2780  }
0x1d: {  	[sflag:s12] =	ssyncset.done $0x0  }
0x1e: {  	[sflag:s12] =	ssyncadd.s32 $0xFFFFD880  }
0x1f: {  	[tilespmem:s16], [sflag:$0x1] =	stream.linear.gather [hbm4b:s8+s3], $0x2780, $0x38;
	[tilespmem:$0xA200] =	vst v63  }
0x20: {  	_ =	swait.ge [sflag:s12], $0x2780  }
0x21: {  	[sflag:s12] =	ssyncset.done $0x0  }
0x22: {  	[sflag:s12] =	ssyncadd.s32 $0xFFFFD880  }
0x23: {  	[tilespmem:$0xA180] =	vst v0  }
0x24: {  	[tilespmem:$0xA190] =	vst v1  }
0x25: {  	[tilespmem:$0xA1A0] =	vst v2  }
0x26: {  	[tilespmem:$0xA1B0] =	vst v3  }
0x27: {  	[tilespmem:$0xA1C0] =	vst v4  }
0x28: {  	s22 =	simm.s32 $0x0;
	s21 =	simm.s32 $0x40;
	[bflag:$0x0] =	sbarrier.arrive $0xFFFF  }
.LBB2_2:
0x29: {  	p1 =	sne.s32 s21, $0x9DC0;
	v5 =	vld [tilespmem:s22+$0x7A00];
	_ =	sdelay $0x5  }
0x2a: {  	v6 =	vld [tilespmem:s22+$0x5280];
	_ =	sdelay $0x1  }
0x2b: {  	v5 =	vld.idx.msk [tilespmem:v5+s14+$0x0], $0xffff;
	_ =	sdelay $0x1  }
.Ltmp0:
0x2c: {  	(pc) =	sbr.rel @p1 .LBB2_2-.Ltmp0, $2  }
0x2d: {  	_ =	sdelay $0x2  }
0x2e: {  	s22 =	sshra.s32 s21, $0x2;
	s21 =	sadd.s32 $0x40, s21;
	[tilespmem:v6+s13+$0x0] =	vst.idx.add.f32.msk $0xffff, v5  }
0x2f: {  	v5 =	vld [tilespmem:s22+$0x7A00];
	_ =	sdelay $0x4  }
0x30: {  	v6 =	vld [tilespmem:s22+$0x5280];
	_ =	sdelay $0x2  }
0x31: {  	v5 =	vld.idx.msk [tilespmem:v5+s14+$0x0], $0xffff;
	_ =	sdelay $0x4  }
0x32: {  	[tilespmem:v6+s13+$0x0] =	vst.idx.add.f32.msk $0xffff, v5  }
0x33: {  	[spmem:s2] =	stream.indirect.scatter.add.f32 [tilespmem:s13], [sflag:$0x1], $0x80, s18, s17, $0xb8;
	[tilespmem:$0xA200] =	vst v63  }
0x34: {  	_ =	swait.ge [sflag:s12], $0x2800  }
0x35: {  	s20 =	sadd.s32 $0x1, s20;
	[sflag:s12] =	ssyncset.done $0x0  }
0x36: {  	p1 =	sne.s32 s20, s10;
	[sflag:s12] =	ssyncadd.s32 $0xFFFFD800  }
.Ltmp1:
0x37: {  	s21 =	simm.s32 @!p0 $0x1;
	[bflag:$0x0] =	sbarrier.arrive $0xFFFF;
	(pc) =	sbr.rel @p1 .LBB2_1-.Ltmp1, $4  }
0x38: {  	[hbm:s9], [sflag:s6] =	dma.local @!p0 [spmem:s19], $0x80  }
0x39: {  	_ =	swait.ge @!p0 [sflag:s21], $0x80  }
0x3a: {  	[sflag:s21] =	ssyncset.done @!p0 $0x0  }
0x3b: {  	[sflag:s21] =	ssyncadd.s32 @!p0 $0xFFFFFF80  }
0x3c: {  	_ =	sfence.sel $0x180000  }
0x3d: {  	[bflag:$0x0] =	sbarrier.arrive $0xFFFF  }
0x3e: {  	p0 =	sne.s32 s0, $0x0;
	_ =	strace $0x9000004D  }
0x3f: {  	s0 =	sadd.s32 @!p0 $0x100000, s1;
	[bflag:$0x2] =	sbarrier.arrive $0xFFFF  }
0x40: {  	[sflag:s0] =	ssyncadd.tile.s32 @!p0 $0x1;
	_ =	shalt  }
.Lfunc_end2:
_tile_overlayer_lowered:
.L_overlay_start_2:
0x41: {  	(tag) =	ssettag $0x2  }
0x42: {  	s0 =	rddreg [dreg:$0x0];
	s2 =	stileid.u32  }
0x43: {  	s1 =	rddreg [dreg:$0x1];
	p0 =	sne.s32 s2, $0x0  }
0x44: {  	s3 =	rddreg [dreg:$0x2];
	[bflag:$0x3] =	sbarrier.arrive $0xFFFF;
	s2 =	simm.s32 @!p0 $0x1C01  }
0x45: {  	[timem:s3], [sflag:s2] =	dma.local @!p0 [hbm:s0], s1  }
0x46: {  	s0 =	simm.s32 @!p0 $0x1  }
0x47: {  	_ =	swait.ge @!p0 [sflag:s0], s1  }
0x48: {  	s1 =	ssub.s32 @!p0 $0x0, s1;
	[sflag:s0] =	ssyncset.done @!p0 $0x0  }
0x49: {  	[sflag:s0] =	ssyncadd.s32 @!p0 s1  }
0x4a: {  	[bflag:$0x3] =	sbarrier.arrive $0xFFFF  }
0x4b: {  	_ =	shalt  }

// kernel: kernel.16.cloned.1.call-start
scs
__scs_entry_jumppad:
0x0: {  	(pc) =	sbr.rel $0x88, $3  }
0x1: {  	(tag) =	ssettag $0x0;
	lr =	simm.s32 $0x1  }
0x2: {  	[smem:$0x3F93] =	sst lr;
	_ =	strace $0xD0000000  }
0x3: {  	_ = 	snop  }
0x4: {  	_ = 	snop  }
0x5: {  	_ = 	snop  }
0x6: {  	_ = 	snop  }
0x7: {  	_ = 	snop  }
__scs_overlays_trampoline_lowered:
0x8: {  	[smem:$0x3FA2] =	sst s0  }
0x9: {  	[smem:$0x3FA3] =	sst s1  }
0xa: {  	[smem:$0x3FA4] =	sst s2  }
0xb: {  	[smem:$0x3FA5] =	sst s3  }
0xc: {  	[smem:$0x3FA6] =	sst s4  }
0xd: {  	[smem:$0x3FA7] =	sst s5  }
0xe: {  	[smem:$0x3FA8] =	sst s6  }
0xf: {  	[smem:$0x3FA9] =	sst s7  }
0x10: {  	[smem:$0x3FAA] =	sst s8  }
0x11: {  	[smem:$0x3FAB] =	sst s9;
	s0 =	simm.s32 @!p0 $0x0  }
0x12: {  	s1 =	sld [smem:$0x3F91];
	s0 =	simm.s32 @p0 $0x1  }
0x13: {  	[smem:$0x3FAC] =	sst s0;
	s0 =	simm.s32 @!p1 $0x0  }
0x14: {  	s2 =	sld [smem:$0x3F90];
	s0 =	simm.s32 @p1 $0x1  }
0x15: {  	[smem:$0x3FAD] =	sst s0;
	s0 =	simm.s32 @!p2 $0x0  }
0x16: {  	s3 =	sld [smem:$0x3FDB];
	s0 =	simm.s32 @p2 $0x1  }
0x17: {  	s4 =	simm.s32 $0x1BF5;
	[smem:$0x3FAF] =	sst s0  }
0x18: {  	s0 =	sld [smem:$0x3F92];
	_ =	swait.ge [sflag:s4], $0x0  }
0x19: {  	s7 =	sld [smem:$0x3F93]  }
0x1a: {  	s8 =	sadd.s32 $0xFFFFE003, lr  }
0x1b: {  	s9 =	sadd.s32 $0xFFFFFEF7, lr;
	s5 =	simm.s32 $0xFFFFFFFF;
	p2 =	slt.u32 s8, $0xFFFFF086  }
0x1c: {  	p1 =	slt.u32 s9, $0xF7A;
	s5 =	simm.s32 @!p2 $0x0  }
0x1d: {  	s5 =	simm.s32 @p1 $0x1;
	p0 =	seq.s32 s7, s2  }
0x1e: {  	s7 =	smul.u32 @!p0 $0xF7A, s2;
	p2 =	seq.s32 @!p0 s5, $0x0  }
0x1f: {  	s9 =	smul.u32 $0xF7A, s1;
	s8 =	simm.s32 @!p0 $0x1BF5;
	p2 =	por !p2, p0  }
0x20: {  	[sflag:s8] =	ssyncset.s32 @!p0 $0xFFFFF086;
	s6 =	sadd.s32 @!p0 s3, s7;
	s7 =	simm.s32 @!p0 $0x108  }
0x21: {  	s3 =	sadd.s32 s3, s9;
	s6 =	sadd.s32 @!p0 $0x88, s6;
	s7 =	simm.s32 @p2 $0x1082  }
0x22: {  	[simem:s7], [sflag:s8] =	dma.local @!p0 [hbm:s6], $0xF7A  }
0x23: {  	s9 =	sor.u32 $0xD0000000, s2;
	s6 =	simm.s32 $0x108;
	_ =	swait.ge @!p0 [sflag:s8], $0x0  }
0x24: {  	s3 =	sadd.s32 $0x88, s3;
	s6 =	simm.s32 @!p1 $0x1082;
	[sflag:s4] =	ssyncset.s32 $0xFFFFF086  }
0x25: {  	[simem:s6], [sflag:s4] =	dma.local [hbm:s3], $0xF7A  }
0x26: {  	[smem:$0x3F93] =	sst s1;
	(tag) =	ssettag s2;
	_ =	strace s9  }
0x27: {  	s1 =	sld [smem:$0x3FA3]  }
0x28: {  	s2 =	sld [smem:$0x3FA4]  }
0x29: {  	s4 =	sld [smem:$0x3FA6]  }
0x2a: {  	p0 =	seq.s32 s5, $0x0;
	s5 =	sld [smem:$0x3FA7]  }
0x2b: {  	s6 =	sld [smem:$0x3FA8]  }
0x2c: {  	s7 =	sld [smem:$0x3FA9]  }
0x2d: {  	s3 =	simm.s32 $0x108;
	s8 =	sld [smem:$0x3FAA]  }
0x2e: {  	s3 =	simm.s32 @!p0 $0x1082;
	s9 =	sld [smem:$0x3FAB]  }
0x2f: {  	lr =	sadd.s32 s0, s3;
	s0 =	sld [smem:$0x3FA2]  }
0x30: {  	s3 =	sld [smem:$0x3FA5]  }
0x31: {  	[smem:$0x3FAE] =	sst s10  }
0x32: {  	s10 =	sld [smem:$0x3FAC];
	_ =	sdelay $0x3  }
0x33: {  	p0 =	seq.s32 s10, $0x1;
	s10 =	sld [smem:$0x3FAE];
	_ =	sdelay $0x3  }
0x34: {  	[smem:$0x3FAE] =	sst s10  }
0x35: {  	s10 =	sld [smem:$0x3FAD];
	_ =	sdelay $0x3  }
0x36: {  	p1 =	seq.s32 s10, $0x1;
	s10 =	sld [smem:$0x3FAE];
	_ =	sdelay $0x3  }
0x37: {  	[smem:$0x3FAE] =	sst s10  }
0x38: {  	s10 =	sld [smem:$0x3FAF]  }
0x39: {  	_ = 	snop;
	(pc) =	sbr.ind lr, $3  }
0x3a: {  	_ = 	snop  }
0x3b: {  	_ = 	snop  }
0x3c: {  	p2 =	seq.s32 s10, $0x1;
	s10 =	sld [smem:$0x3FAE]  }
0x3d: {  	_ =	shalt  }
0x3e: {  	_ =	shalt  }
0x3f: {  	_ =	shalt  }
0x40: {  	_ =	shalt  }
0x41: {  	_ =	shalt  }
0x42: {  	_ =	shalt  }
0x43: {  	_ =	shalt  }
0x44: {  	_ =	shalt  }
0x45: {  	_ =	shalt  }
0x46: {  	_ =	shalt  }
0x47: {  	_ =	shalt  }
0x48: {  	_ =	shalt  }
0x49: {  	_ =	shalt  }
0x4a: {  	_ =	shalt  }
0x4b: {  	_ =	shalt  }
0x4c: {  	_ =	shalt  }
0x4d: {  	_ =	shalt  }
0x4e: {  	_ =	shalt  }
0x4f: {  	_ =	shalt  }
0x50: {  	_ =	shalt  }
0x51: {  	_ =	shalt  }
0x52: {  	_ =	shalt  }
0x53: {  	_ =	shalt  }
0x54: {  	_ =	shalt  }
0x55: {  	_ =	shalt  }
0x56: {  	_ =	shalt  }
0x57: {  	_ =	shalt  }
0x58: {  	_ =	shalt  }
0x59: {  	_ =	shalt  }
0x5a: {  	_ =	shalt  }
0x5b: {  	_ =	shalt  }
0x5c: {  	_ =	shalt  }
0x5d: {  	_ =	shalt  }
0x5e: {  	_ =	shalt  }
0x5f: {  	_ =	shalt  }
0x60: {  	_ =	shalt  }
0x61: {  	_ =	shalt  }
0x62: {  	_ =	shalt  }
0x63: {  	_ =	shalt  }
0x64: {  	_ =	shalt  }
0x65: {  	_ =	shalt  }
0x66: {  	_ =	shalt  }
0x67: {  	_ =	shalt  }
0x68: {  	_ =	shalt  }
0x69: {  	_ =	shalt  }
0x6a: {  	_ =	shalt  }
0x6b: {  	_ =	shalt  }
0x6c: {  	_ =	shalt  }
0x6d: {  	_ =	shalt  }
0x6e: {  	_ =	shalt  }
0x6f: {  	_ =	shalt  }
0x70: {  	_ =	shalt  }
0x71: {  	_ =	shalt  }
0x72: {  	_ =	shalt  }
0x73: {  	_ =	shalt  }
0x74: {  	_ =	shalt  }
0x75: {  	_ =	shalt  }
0x76: {  	_ =	shalt  }
0x77: {  	_ =	shalt  }
0x78: {  	_ =	shalt  }
0x79: {  	_ =	shalt  }
0x7a: {  	_ =	shalt  }
0x7b: {  	_ =	shalt  }
0x7c: {  	_ =	shalt  }
0x7d: {  	_ =	shalt  }
0x7e: {  	_ =	shalt  }
0x7f: {  	_ =	shalt  }
0x80: {  	_ =	shalt  }
0x81: {  	_ =	shalt  }
0x82: {  	_ =	shalt  }
0x83: {  	_ =	shalt  }
0x84: {  	_ =	shalt  }
0x85: {  	_ =	shalt  }
0x86: {  	_ =	shalt  }
0x87: {  	_ =	shalt  }
.Lfunc_end0:
.L_simem_size_0:
called_computation.2_lowered:
.L_overlay_start_0:
0x88: {  	s2 =	sld [smem:$0x3FD9]  }
0x89: {  	s3 =	sld [smem:$0x3FFE];
	_ =	sdelay $0x1  }
0x8a: {  	s1 =	srdreg.scid  }
0x8b: {  	s0 =	sand.u32 $0x1, s1  }
0x8c: {  	s16 =	sshll.u32 s0, $0xA;
	s2 =	sadd.s32 s3, s2  }
0x8d: {  	s2 =	sadd.s32 s2, s16  }
0x8e: {  	[smem:$0x3FBA] =	sst s2  }
0x8f: {  	_ = 	snop  }
0x90: {  	(tm) =	ssettm $0x1  }
0x91: {  	s17 =	sld [smem:$0x3FFB];
	_ =	sdelay $0x3  }
0x92: {  	_ =	strace s17  }
0x93: {  	s2 =	sld [smem:$0x3FFC];
	_ =	sdelay $0x3  }
0x94: {  	_ =	strace s2  }
0x95: {  	s2 =	sld [smem:$0x3FFD];
	_ =	sdelay $0x3  }
0x96: {  	_ =	strace s2  }
0x97: {  	_ =	strace $0x8FFFFFFF  }
0x98: {  	s18 =	sld [smem:$0x3FDB];
	_ =	sdelay $0x1  }
0x99: {  	s19 =	simm.s32 $_scs_section_size  }
0x9a: {  	s4 =	simm.s32 $_size__tile_overlayer_lowered;
	s5 =	simm.s32 $_tile_overlayer_lowered  }
0x9b: {  	s22 =	simm.s32 $0x1BFF;
	s21 =	sshll.u32 s5, $0x1;
	s2 =	sadd.s32 s19, s18  }
0x9c: {  	s6 =	simm.s32 $0x0;
	s20 =	sshll.u32 s4, $0x1;
	s4 =	sadd.s32 s21, s2  }
0x9d: {  	[timem:s6], [sflag:s22] =	dma.local [hbm:s4], s20  }
0x9e: {  	_ =	swait.ge [sflag:s22], s20  }
0x9f: {  	s3 =	ssub.s32 $0x0, s20;
	[sflag:s22] =	ssyncset.done $0x0  }
0xa0: {  	[sflag:s22] =	ssyncadd.s32 s3;
	_ =	sdelay $0x1  }
0xa1: {  	s23 =	simm.s32 $0x1B8B  }
0xa2: {  	_ =	swait.ge [sflag:s23], $0x1  }
0xa3: {  	[sflag:s23] =	ssyncset.done $0x0  }
0xa4: {  	s25 =	simm.s32 $0x1B8E;
	s24 =	sld [smem:$0x3FFE];
	[sflag:s23] =	ssyncadd.s32 $0xFFFFFFFF  }
0xa5: {  	s26 =	simm.s32 $execute0_lowered;
	[smem:$0x3FD2] =	sst s25  }
0xa6: {  	s4 =	sshll.u32 s26, $0x1;
	_ =	strace $0x80000049;
	[dreg:$0x1] =	wrdreg $0xFFFFFFFF  }
0xa7: {  	s28 =	simm.s32 $_size_execute0_lowered;
	s2 =	sadd.s32 s2, s4;
	[dreg:$0x0] =	wrdreg $0x0  }
0xa8: {  	s4 =	sshll.u32 s28, $0x1;
	[dreg:$0x2] =	wrdreg s2  }
0xa9: {  	[dreg:$0x3] =	wrdreg s4  }
0xaa: {  	[dreg:$0x4] =	wrdreg $0xC0  }
0xab: {  	_ =	task [dreg:s6], $0x5FFFF  }
0xac: {  	[dreg:$0x1] =	wrdreg $0xFFFFFFFF  }
0xad: {  	[dreg:$0x0] =	wrdreg $0x60  }
0xae: {  	[dreg:$0x2] =	wrdreg s24  }
0xaf: {  	[dreg:$0x3] =	wrdreg $0x0  }
0xb0: {  	[dreg:$0x4] =	wrdreg $0xA  }
0xb1: {  	_ =	task.clear_ibuf [dreg:s6], $0x5FFFF;
	_ =	strace $0x90000049  }
0xb2: {  	s29 =	simm.s32 $0xA;
	_ =	strace $0x8000004B  }
0xb3: {  	_ =	swait.ge [sflag:s29], $0x1  }
0xb4: {  	[sflag:s29] =	ssyncadd.s32 $0xFFFFFFFF  }
0xb5: {  	_ =	strace $0x9000004B  }
0xb6: {  	_ =	sfence  }
0xb7: {  	s30 =	sld [smem:$0x0];
	_ =	sdelay $0x2  }
0xb8: {  	s31 =	sshll.u32 s1, $0xD;
	s1 =	sshrl.u32 s1, $0x2  }
0xb9: {  	s3 =	sand.u32 $0x4000, s31;
	s1 =	sadd.s32 s1, s30  }
0xba: {  	s0 =	sor.u32 s3, s0;
	s1 =	sshll.u32 s1, $0x11  }
0xbb: {  	s0 =	sor.u32 s1, s0  }
0xbc: {  	s0 =	sadd.s32 $0x8F2B, s0  }
0xbd: {  	[sflag:s0] =	ssyncadd.remote.s32 $0x1  }
0xbe: {  	_ =	sfence.sel $0xFFFF  }
0xbf: {  	[dreg:$0x0] =	wrdreg $0xFFFFFFFF;
	(pc) =	sbr.abs _section_cstart, $3  }
0xc0: {  	[dreg:$0x1] =	wrdreg $0xFFFFFFFF  }
0xc1: {  	_ =	task.clear_ibuf [dreg:s6], $0x2FFFF;
	_ =	strace $0x9FFFFFFF  }
0xc2: {  	(tm) =	ssettm $0x7FFFFFFF  }
0xc3: {  	_ =	shalt  }
tec
execute0_lowered:
.L_overlay_start_1:
0x0: {  	(tag) =	ssettag $0x1  }
0x1: {  	s6 =	rddreg [dreg:$0x0]  }
0x2: {  	s1 =	rddreg [dreg:$0x1];
	s2 =	srdreg.scid  }
0x3: {  	s0 =	rddreg [dreg:$0x2];
	s3 =	simm.s32 $0x0;
	s7 =	sand.u32 $0x1, s2  }
0x4: {  	s14 =	simm.s32 $0x14080;
	s2 =	stileid.u32;
	s5 =	smul.u32 $0x4F00, s7  }
0x5: {  	s15 =	simm.s32 $0x80;
	s16 =	simm.s32 $0x14100;
	s8 =	smul.u32 $0x2800, s2  }
0x6: {  	s17 =	simm.s32 $0x1;
	s18 =	simm.s32 $0x0;
	s9 =	smul.u32 $0x28000, s7  }
0x7: {  	[smem:$0x7FF] =	sst s3;
	s4 =	sadd.s32 $0x18400, s6;
	s28 =	smul.u32 $0x50000, s2  }
0x8: {  	_ =	strace $0x8000004A;
	s7 =	ssub.s32 $0x2, s7;
	s11 =	smul.u32 $0x4F0, s2  }
0x9: {  	s31 =	sshll.u32 s2, $0x6;
	s29 =	sshrl.u32 s7, $0x1;
	s10 =	sadd.s32 s5, s6  }
0xa: {  	s5 =	sadd.s32 $0x40400, s6;
	s8 =	sadd.s32 s8, s9;
	s30 =	sshrl.u32 s28, $0x2  }
0xb: {  	s12 =	ssub.s32 s7, s29;
	s8 =	sadd.s32 s8, s6;
	s13 =	sadd.s32 s30, s1  }
0xc: {  	s6 =	sor.u32 $0x1C02, s31;
	s10 =	sadd.s32 s11, s10;
	s7 =	sadd.s32 $0x42C00, s8  }
0xd: {  	s8 =	smax.u32 s12, $0x1;
	s9 =	sadd.s32 $0x3800, s10;
	s10 =	sadd.s32 $0xE600, s10  }
0xe: {  	s11 =	sshrl.u32 s13, $0x3;
	s12 =	simm.s32 $0x2;
	s13 =	simm.s32 $0x14000  }
.LBB2_1:
0xf: {  	[spmem:s11], [sflag:s6] =	dma.local [hbm:s5], $0x2800  }
0x10: {  	_ =	swait.ge [sflag:s12], $0x2800  }
0x11: {  	[sflag:s12] =	ssyncset.done $0x0  }
0x12: {  	[sflag:s12] =	ssyncadd.s32 $0xFFFFD800  }
0x13: {  	s19 =	sadd.s32 $0x0, s10;
	[bflag:$0x0] =	sbarrier.arrive $0xFFFF  }
0x14: {  	[tilespmem:s13], [sflag:$0x2] =	stream.linear.gather [hbm4b:s19+s3], $0x80, $0x38;
	[tilespmem:$0x18100] =	vst v63  }
0x15: {  	_ =	swait.ge [sflag:s12], $0x80  }
0x16: {  	[sflag:s12] =	ssyncset.done $0x0  }
0x17: {  	s31 =	sadd.s32 $0x0, s9;
	[sflag:s12] =	ssyncadd.s32 $0xFFFFFF80  }
0x18: {  	[tilespmem:s14], [sflag:$0x2] =	stream.linear.gather [hbm4b:s31+s3], $0x80, $0x38;
	[tilespmem:$0x18100] =	vst v63  }
0x19: {  	_ =	swait.ge [sflag:s12], $0x80  }
0x1a: {  	[sflag:s12] =	ssyncset.done $0x0  }
0x1b: {  	[sflag:s12] =	ssyncadd.s32 $0xFFFFFF80  }
0x1c: {  	[tilespmem:s16], [sflag:$0x1] =	stream.indirect.gather [hbm4b:s4+s15], $0x80, s13, s15, $0xb8;
	[tilespmem:$0x18100] =	vst v63  }
0x1d: {  	_ =	swait.ge [sflag:s17], $0x4000  }
0x1e: {  	[sflag:s17] =	ssyncset.done $0x0  }
0x1f: {  	[sflag:s17] =	ssyncadd.s32 $0xFFFFC000  }
0x20: {  	[spmem:s1] =	stream.indirect.scatter.add.f32 [tilespmem:s16], [sflag:$0x2], $0x80, s14, s15, $0xb8;
	[tilespmem:$0x18100] =	vst v63  }
0x21: {  	_ =	swait.ge [sflag:s12], $0x4000  }
0x22: {  	s20 =	simm.s32 $0x20;
	s19 =	simm.s32 $0x10;
	[sflag:s12] =	ssyncset.done $0x0  }
.LBB2_2:
0x23: {  	s21 =	sadd.s32 s19, s10  }
0x24: {  	[sflag:s12] =	ssyncadd.s32 $0xFFFFC000;
	s22 =	smov.u32 s20;
	s23 =	sadd.s32 $0x10, s20  }
0x25: {  	[tilespmem:s13], [sflag:$0x2] =	stream.linear.gather [hbm4b:s21+s3], $0x80, $0x38;
	[tilespmem:$0x18100] =	vst v63  }
0x26: {  	p0 =	sne.s32 s20, $0x4E0;
	_ =	swait.ge [sflag:s12], $0x80  }
0x27: {  	[sflag:s12] =	ssyncset.done $0x0  }
0x28: {  	s20 =	sadd.s32 s19, s9;
	s19 =	smov.u32 s22;
	[sflag:s12] =	ssyncadd.s32 $0xFFFFFF80  }
0x29: {  	[tilespmem:s14], [sflag:$0x2] =	stream.linear.gather [hbm4b:s20+s3], $0x80, $0x38;
	[tilespmem:$0x18100] =	vst v63  }
0x2a: {  	_ =	swait.ge [sflag:s12], $0x80  }
0x2b: {  	[sflag:s12] =	ssyncset.done $0x0  }
0x2c: {  	[sflag:s12] =	ssyncadd.s32 $0xFFFFFF80  }
0x2d: {  	[tilespmem:s16], [sflag:$0x1] =	stream.indirect.gather [hbm4b:s4+s15], $0x80, s13, s15, $0xb8;
	[tilespmem:$0x18100] =	vst v63  }
0x2e: {  	_ =	swait.ge [sflag:s17], $0x4000  }
.Ltmp0:
0x2f: {  	[sflag:s17] =	ssyncset.done $0x0;
	(pc) =	sbr.rel @p0 .LBB2_2-.Ltmp0, $4  }
0x30: {  	[sflag:s17] =	ssyncadd.s32 $0xFFFFC000  }
0x31: {  	[spmem:s1] =	stream.indirect.scatter.add.f32 [tilespmem:s16], [sflag:$0x2], $0x80, s14, s15, $0xb8;
	[tilespmem:$0x18100] =	vst v63  }
0x32: {  	_ =	swait.ge [sflag:s12], $0x4000  }
0x33: {  	s20 =	smov.u32 s23;
	[sflag:s12] =	ssyncset.done $0x0  }
0x34: {  	s20 =	sadd.s32 s19, s10;
	[sflag:s12] =	ssyncadd.s32 $0xFFFFC000  }
0x35: {  	[tilespmem:s13], [sflag:$0x2] =	stream.linear.gather [hbm4b:s20+s3], $0x80, $0x38;
	[tilespmem:$0x18100] =	vst v63  }
0x36: {  	_ =	swait.ge [sflag:s12], $0x80  }
0x37: {  	[sflag:s12] =	ssyncset.done $0x0  }
0x38: {  	s31 =	sadd.s32 s19, s9;
	[sflag:s12] =	ssyncadd.s32 $0xFFFFFF80  }
0x39: {  	[tilespmem:s14], [sflag:$0x2] =	stream.linear.gather [hbm4b:s31+s3], $0x80, $0x38;
	[tilespmem:$0x18100] =	vst v63  }
0x3a: {  	_ =	swait.ge [sflag:s12], $0x80  }
0x3b: {  	[sflag:s12] =	ssyncset.done $0x0  }
0x3c: {  	[sflag:s12] =	ssyncadd.s32 $0xFFFFFF80  }
0x3d: {  	[tilespmem:s16], [sflag:$0x1] =	stream.indirect.gather [hbm4b:s4+s15], $0x80, s13, s15, $0xb8;
	[tilespmem:$0x18100] =	vst v63  }
0x3e: {  	_ =	swait.ge [sflag:s17], $0x4000  }
0x3f: {  	[sflag:s17] =	ssyncset.done $0x0  }
0x40: {  	[sflag:s17] =	ssyncadd.s32 $0xFFFFC000  }
0x41: {  	[spmem:s1] =	stream.indirect.scatter.add.f32 [tilespmem:s16], [sflag:$0x2], $0x80, s14, s15, $0xb8;
	[tilespmem:$0x18100] =	vst v63  }
0x42: {  	_ =	swait.ge [sflag:s12], $0x4000  }
0x43: {  	s18 =	sadd.s32 $0x1, s18;
	[sflag:s12] =	ssyncset.done $0x0  }
0x44: {  	p0 =	sne.s32 s18, s8;
	[sflag:s12] =	ssyncadd.s32 $0xFFFFC000  }
.Ltmp1:
0x45: {  	[bflag:$0x0] =	sbarrier.arrive $0xFFFF;
	(pc) =	sbr.rel @p0 .LBB2_1-.Ltmp1, $4  }
0x46: {  	[hbm:s7], [sflag:s6] =	dma.local [spmem:s11], $0x2800  }
0x47: {  	_ =	swait.ge [sflag:s12], $0x2800  }
0x48: {  	[sflag:s12] =	ssyncset.done $0x0  }
0x49: {  	[sflag:s12] =	ssyncadd.s32 $0xFFFFD800  }
0x4a: {  	_ =	sfence.sel $0x180000  }
0x4b: {  	[bflag:$0x0] =	sbarrier.arrive $0xFFFF  }
0x4c: {  	p0 =	sne.s32 s2, $0x0;
	_ =	strace $0x9000004A  }
0x4d: {  	s0 =	sadd.s32 @!p0 $0x100000, s0;
	[bflag:$0x2] =	sbarrier.arrive $0xFFFF  }
0x4e: {  	[sflag:s0] =	ssyncadd.tile.s32 @!p0 $0x1;
	_ =	shalt  }
.Lfunc_end2:
_tile_overlayer_lowered:
.L_overlay_start_2:
0x4f: {  	(tag) =	ssettag $0x2  }
0x50: {  	s0 =	rddreg [dreg:$0x0];
	s2 =	stileid.u32  }
0x51: {  	s1 =	rddreg [dreg:$0x1];
	p0 =	sne.s32 s2, $0x0  }
0x52: {  	s3 =	rddreg [dreg:$0x2];
	[bflag:$0x3] =	sbarrier.arrive $0xFFFF;
	s2 =	simm.s32 @!p0 $0x1C02  }
0x53: {  	[timem:s3], [sflag:s2] =	dma.local @!p0 [hbm:s0], s1  }
0x54: {  	s0 =	simm.s32 @!p0 $0x2  }
0x55: {  	_ =	swait.ge @!p0 [sflag:s0], s1  }
0x56: {  	s1 =	ssub.s32 @!p0 $0x0, s1;
	[sflag:s0] =	ssyncset.done @!p0 $0x0  }
0x57: {  	[sflag:s0] =	ssyncadd.s32 @!p0 s1  }
0x58: {  	[bflag:$0x3] =	sbarrier.arrive $0xFFFF  }
0x59: {  	_ =	shalt  }

// kernel: kernel.19.cloned.1.call-start
scs
__scs_entry_jumppad:
0x0: {  	(pc) =	sbr.rel $0x88, $3  }
0x1: {  	(tag) =	ssettag $0x0;
	lr =	simm.s32 $0x1  }
0x2: {  	[smem:$0x3F93] =	sst lr;
	_ =	strace $0xD0000000  }
0x3: {  	_ = 	snop  }
0x4: {  	_ = 	snop  }
0x5: {  	_ = 	snop  }
0x6: {  	_ = 	snop  }
0x7: {  	_ = 	snop  }
__scs_overlays_trampoline_lowered:
0x8: {  	[smem:$0x3FA2] =	sst s0  }
0x9: {  	[smem:$0x3FA3] =	sst s1  }
0xa: {  	[smem:$0x3FA4] =	sst s2  }
0xb: {  	[smem:$0x3FA5] =	sst s3  }
0xc: {  	[smem:$0x3FA6] =	sst s4  }
0xd: {  	[smem:$0x3FA7] =	sst s5  }
0xe: {  	[smem:$0x3FA8] =	sst s6  }
0xf: {  	[smem:$0x3FA9] =	sst s7  }
0x10: {  	[smem:$0x3FAA] =	sst s8  }
0x11: {  	[smem:$0x3FAB] =	sst s9;
	s0 =	simm.s32 @!p0 $0x0  }
0x12: {  	s1 =	sld [smem:$0x3F91];
	s0 =	simm.s32 @p0 $0x1  }
0x13: {  	[smem:$0x3FAC] =	sst s0;
	s0 =	simm.s32 @!p1 $0x0  }
0x14: {  	s2 =	sld [smem:$0x3F90];
	s0 =	simm.s32 @p1 $0x1  }
0x15: {  	[smem:$0x3FAD] =	sst s0;
	s0 =	simm.s32 @!p2 $0x0  }
0x16: {  	s3 =	sld [smem:$0x3FDB];
	s0 =	simm.s32 @p2 $0x1  }
0x17: {  	s4 =	simm.s32 $0x1BF5;
	[smem:$0x3FAF] =	sst s0  }
0x18: {  	s0 =	sld [smem:$0x3F92];
	_ =	swait.ge [sflag:s4], $0x0  }
0x19: {  	s7 =	sld [smem:$0x3F93]  }
0x1a: {  	s8 =	sadd.s32 $0xFFFFE003, lr  }
0x1b: {  	s9 =	sadd.s32 $0xFFFFFEF7, lr;
	s5 =	simm.s32 $0xFFFFFFFF;
	p2 =	slt.u32 s8, $0xFFFFF086  }
0x1c: {  	p1 =	slt.u32 s9, $0xF7A;
	s5 =	simm.s32 @!p2 $0x0  }
0x1d: {  	s5 =	simm.s32 @p1 $0x1;
	p0 =	seq.s32 s7, s2  }
0x1e: {  	s7 =	smul.u32 @!p0 $0xF7A, s2;
	p2 =	seq.s32 @!p0 s5, $0x0  }
0x1f: {  	s9 =	smul.u32 $0xF7A, s1;
	s8 =	simm.s32 @!p0 $0x1BF5;
	p2 =	por !p2, p0  }
0x20: {  	[sflag:s8] =	ssyncset.s32 @!p0 $0xFFFFF086;
	s6 =	sadd.s32 @!p0 s3, s7;
	s7 =	simm.s32 @!p0 $0x108  }
0x21: {  	s3 =	sadd.s32 s3, s9;
	s6 =	sadd.s32 @!p0 $0x88, s6;
	s7 =	simm.s32 @p2 $0x1082  }
0x22: {  	[simem:s7], [sflag:s8] =	dma.local @!p0 [hbm:s6], $0xF7A  }
0x23: {  	s9 =	sor.u32 $0xD0000000, s2;
	s6 =	simm.s32 $0x108;
	_ =	swait.ge @!p0 [sflag:s8], $0x0  }
0x24: {  	s3 =	sadd.s32 $0x88, s3;
	s6 =	simm.s32 @!p1 $0x1082;
	[sflag:s4] =	ssyncset.s32 $0xFFFFF086  }
0x25: {  	[simem:s6], [sflag:s4] =	dma.local [hbm:s3], $0xF7A  }
0x26: {  	[smem:$0x3F93] =	sst s1;
	(tag) =	ssettag s2;
	_ =	strace s9  }
0x27: {  	s1 =	sld [smem:$0x3FA3]  }
0x28: {  	s2 =	sld [smem:$0x3FA4]  }
0x29: {  	s4 =	sld [smem:$0x3FA6]  }
0x2a: {  	p0 =	seq.s32 s5, $0x0;
	s5 =	sld [smem:$0x3FA7]  }
0x2b: {  	s6 =	sld [smem:$0x3FA8]  }
0x2c: {  	s7 =	sld [smem:$0x3FA9]  }
0x2d: {  	s3 =	simm.s32 $0x108;
	s8 =	sld [smem:$0x3FAA]  }
0x2e: {  	s3 =	simm.s32 @!p0 $0x1082;
	s9 =	sld [smem:$0x3FAB]  }
0x2f: {  	lr =	sadd.s32 s0, s3;
	s0 =	sld [smem:$0x3FA2]  }
0x30: {  	s3 =	sld [smem:$0x3FA5]  }
0x31: {  	[smem:$0x3FAE] =	sst s10  }
0x32: {  	s10 =	sld [smem:$0x3FAC];
	_ =	sdelay $0x3  }
0x33: {  	p0 =	seq.s32 s10, $0x1;
	s10 =	sld [smem:$0x3FAE];
	_ =	sdelay $0x3  }
0x34: {  	[smem:$0x3FAE] =	sst s10  }
0x35: {  	s10 =	sld [smem:$0x3FAD];
	_ =	sdelay $0x3  }
0x36: {  	p1 =	seq.s32 s10, $0x1;
	s10 =	sld [smem:$0x3FAE];
	_ =	sdelay $0x3  }
0x37: {  	[smem:$0x3FAE] =	sst s10  }
0x38: {  	s10 =	sld [smem:$0x3FAF]  }
0x39: {  	_ = 	snop;
	(pc) =	sbr.ind lr, $3  }
0x3a: {  	_ = 	snop  }
0x3b: {  	_ = 	snop  }
0x3c: {  	p2 =	seq.s32 s10, $0x1;
	s10 =	sld [smem:$0x3FAE]  }
0x3d: {  	_ =	shalt  }
0x3e: {  	_ =	shalt  }
0x3f: {  	_ =	shalt  }
0x40: {  	_ =	shalt  }
0x41: {  	_ =	shalt  }
0x42: {  	_ =	shalt  }
0x43: {  	_ =	shalt  }
0x44: {  	_ =	shalt  }
0x45: {  	_ =	shalt  }
0x46: {  	_ =	shalt  }
0x47: {  	_ =	shalt  }
0x48: {  	_ =	shalt  }
0x49: {  	_ =	shalt  }
0x4a: {  	_ =	shalt  }
0x4b: {  	_ =	shalt  }
0x4c: {  	_ =	shalt  }
0x4d: {  	_ =	shalt  }
0x4e: {  	_ =	shalt  }
0x4f: {  	_ =	shalt  }
0x50: {  	_ =	shalt  }
0x51: {  	_ =	shalt  }
0x52: {  	_ =	shalt  }
0x53: {  	_ =	shalt  }
0x54: {  	_ =	shalt  }
0x55: {  	_ =	shalt  }
0x56: {  	_ =	shalt  }
0x57: {  	_ =	shalt  }
0x58: {  	_ =	shalt  }
0x59: {  	_ =	shalt  }
0x5a: {  	_ =	shalt  }
0x5b: {  	_ =	shalt  }
0x5c: {  	_ =	shalt  }
0x5d: {  	_ =	shalt  }
0x5e: {  	_ =	shalt  }
0x5f: {  	_ =	shalt  }
0x60: {  	_ =	shalt  }
0x61: {  	_ =	shalt  }
0x62: {  	_ =	shalt  }
0x63: {  	_ =	shalt  }
0x64: {  	_ =	shalt  }
0x65: {  	_ =	shalt  }
0x66: {  	_ =	shalt  }
0x67: {  	_ =	shalt  }
0x68: {  	_ =	shalt  }
0x69: {  	_ =	shalt  }
0x6a: {  	_ =	shalt  }
0x6b: {  	_ =	shalt  }
0x6c: {  	_ =	shalt  }
0x6d: {  	_ =	shalt  }
0x6e: {  	_ =	shalt  }
0x6f: {  	_ =	shalt  }
0x70: {  	_ =	shalt  }
0x71: {  	_ =	shalt  }
0x72: {  	_ =	shalt  }
0x73: {  	_ =	shalt  }
0x74: {  	_ =	shalt  }
0x75: {  	_ =	shalt  }
0x76: {  	_ =	shalt  }
0x77: {  	_ =	shalt  }
0x78: {  	_ =	shalt  }
0x79: {  	_ =	shalt  }
0x7a: {  	_ =	shalt  }
0x7b: {  	_ =	shalt  }
0x7c: {  	_ =	shalt  }
0x7d: {  	_ =	shalt  }
0x7e: {  	_ =	shalt  }
0x7f: {  	_ =	shalt  }
0x80: {  	_ =	shalt  }
0x81: {  	_ =	shalt  }
0x82: {  	_ =	shalt  }
0x83: {  	_ =	shalt  }
0x84: {  	_ =	shalt  }
0x85: {  	_ =	shalt  }
0x86: {  	_ =	shalt  }
0x87: {  	_ =	shalt  }
.Lfunc_end0:
.L_simem_size_0:
called_computation.3_lowered:
.L_overlay_start_0:
0x88: {  	s2 =	sld [smem:$0x3FD9]  }
0x89: {  	s3 =	sld [smem:$0x3FFE];
	_ =	sdelay $0x1  }
0x8a: {  	s1 =	srdreg.scid  }
0x8b: {  	s0 =	sand.u32 $0x1, s1  }
0x8c: {  	s17 =	sshll.u32 s0, $0xA;
	s2 =	sadd.s32 s3, s2  }
0x8d: {  	s2 =	sadd.s32 s2, s17  }
0x8e: {  	[smem:$0x3FBA] =	sst s2  }
0x8f: {  	_ = 	snop  }
0x90: {  	(tm) =	ssettm $0x1  }
0x91: {  	s18 =	sld [smem:$0x3FFB];
	_ =	sdelay $0x3  }
0x92: {  	_ =	strace s18  }
0x93: {  	s2 =	sld [smem:$0x3FFC];
	_ =	sdelay $0x3  }
0x94: {  	_ =	strace s2  }
0x95: {  	s2 =	sld [smem:$0x3FFD];
	_ =	sdelay $0x3  }
0x96: {  	_ =	strace s2  }
0x97: {  	_ =	strace $0x8FFFFFFF  }
0x98: {  	s19 =	sld [smem:$0x3FDB];
	_ =	sdelay $0x1  }
0x99: {  	s20 =	simm.s32 $_scs_section_size  }
0x9a: {  	s4 =	simm.s32 $_size__tile_overlayer_lowered;
	s5 =	simm.s32 $_tile_overlayer_lowered  }
0x9b: {  	s6 =	simm.s32 $0x1BFF;
	s21 =	sshll.u32 s5, $0x1;
	s3 =	sadd.s32 s20, s19  }
0x9c: {  	s22 =	simm.s32 $0x0;
	s4 =	sshll.u32 s4, $0x1;
	s5 =	sadd.s32 s21, s3  }
0x9d: {  	[timem:s22], [sflag:s6] =	dma.local [hbm:s5], s4  }
0x9e: {  	_ =	swait.ge [sflag:s6], s4  }
0x9f: {  	s4 =	ssub.s32 $0x0, s4;
	[sflag:s6] =	ssyncset.done $0x0  }
0xa0: {  	[sflag:s6] =	ssyncadd.s32 s4;
	_ =	sdelay $0x1  }
0xa1: {  	s23 =	simm.s32 $0x1B8B  }
0xa2: {  	_ =	swait.ge [sflag:s23], $0x1  }
0xa3: {  	[sflag:s23] =	ssyncset.done $0x0  }
0xa4: {  	[sflag:s23] =	ssyncadd.s32 $0xFFFFFFFF  }
0xa5: {  	s4 =	sld [smem:$0x0]  }
0xa6: {  	s5 =	sand.u32 $0xFFFFFFFE, s1  }
0xa7: {  	p0 =	sne.s32 s1, s5  }
0xa8: {  	s5 =	sshll.u32 @p0 s5, $0xE  }
0xa9: {  	s5 =	sadd.s32 @p0 $0x11B8D, s5;
	s6 =	sshll.u32 @p0 s4, $0x11  }
0xaa: {  	s5 =	sor.u32 @p0 s6, s5  }
0xab: {  	[sflag:s5] =	ssyncadd.remote.s32 @p0 $0x1;
	_ =	sdelay $0x1  }
0xac: {  	s5 =	simm.s32 @p0 $0x1B8D  }
0xad: {  	_ =	swait.eq @p0 [sflag:s5], $0x1  }
0xae: {  	[sflag:s5] =	ssyncadd.s32 @p0 $0xFFFFFFFF  }
0xaf: {  	s6 =	sshll.u32 @!p0 s1, $0xE  }
0xb0: {  	s6 =	sor.u32 @!p0 $0x4000, s6;
	s5 =	simm.s32 @!p0 $0x1B8D  }
0xb1: {  	s4 =	sshll.u32 @!p0 s4, $0x11;
	s6 =	sadd.s32 @!p0 $0x11B8D, s6;
	_ =	swait.eq @!p0 [sflag:s5], $0x1  }
0xb2: {  	s4 =	sor.u32 @!p0 s4, s6;
	[sflag:s5] =	ssyncadd.s32 @!p0 $0xFFFFFFFF  }
0xb3: {  	s25 =	simm.s32 $0x1B8E;
	s24 =	sld [smem:$0x3FFE];
	[sflag:s4] =	ssyncadd.remote.s32 @!p0 $0x1  }
0xb4: {  	s26 =	simm.s32 $execute0_lowered;
	[smem:$0x3FD2] =	sst s25  }
0xb5: {  	s5 =	sshll.u32 s26, $0x1;
	_ =	strace $0x8000004F;
	[dreg:$0x1] =	wrdreg $0xFFFFFFFF  }
0xb6: {  	s28 =	simm.s32 $_size_execute0_lowered;
	s3 =	sadd.s32 s3, s5;
	[dreg:$0x0] =	wrdreg $0x0  }
0xb7: {  	s5 =	sshll.u32 s28, $0x1;
	[dreg:$0x2] =	wrdreg s3  }
0xb8: {  	[dreg:$0x3] =	wrdreg s5  }
0xb9: {  	[dreg:$0x4] =	wrdreg $0xC0  }
0xba: {  	_ =	task [dreg:s22], $0x5FFFF  }
0xbb: {  	[dreg:$0x1] =	wrdreg $0xFFFFFFFF  }
0xbc: {  	[dreg:$0x0] =	wrdreg $0x60  }
0xbd: {  	[dreg:$0x2] =	wrdreg s24  }
0xbe: {  	[dreg:$0x3] =	wrdreg $0x0  }
0xbf: {  	[dreg:$0x4] =	wrdreg $0xA  }
0xc0: {  	_ =	task.clear_ibuf [dreg:s22], $0x5FFFF;
	_ =	strace $0x9000004F  }
0xc1: {  	s29 =	simm.s32 $0xA;
	_ =	strace $0x80000051  }
0xc2: {  	_ =	swait.ge [sflag:s29], $0x1  }
0xc3: {  	[sflag:s29] =	ssyncadd.s32 $0xFFFFFFFF  }
0xc4: {  	_ =	strace $0x90000051  }
0xc5: {  	_ =	sfence  }
0xc6: {  	s30 =	sld [smem:$0x0];
	_ =	sdelay $0x2  }
0xc7: {  	s31 =	sshll.u32 s1, $0xD;
	s1 =	sshrl.u32 s1, $0x2  }
0xc8: {  	s4 =	sand.u32 $0x4000, s31;
	s1 =	sadd.s32 s1, s30  }
0xc9: {  	s0 =	sor.u32 s4, s0;
	s1 =	sshll.u32 s1, $0x11  }
0xca: {  	s0 =	sor.u32 s1, s0  }
0xcb: {  	s0 =	sadd.s32 $0x8F2B, s0  }
0xcc: {  	[sflag:s0] =	ssyncadd.remote.s32 $0x1  }
0xcd: {  	_ =	sfence.sel $0xFFFF  }
0xce: {  	[dreg:$0x0] =	wrdreg $0xFFFFFFFF;
	(pc) =	sbr.abs _section_cstart, $3  }
0xcf: {  	[dreg:$0x1] =	wrdreg $0xFFFFFFFF  }
0xd0: {  	_ =	task.clear_ibuf [dreg:s22], $0x2FFFF;
	_ =	strace $0x9FFFFFFF  }
0xd1: {  	(tm) =	ssettm $0x7FFFFFFF  }
tec
execute0_lowered:
.L_overlay_start_1:
0x0: {  	(tag) =	ssettag $0x1  }
0x1: {  	s6 =	rddreg [dreg:$0x0]  }
0x2: {  	s2 =	rddreg [dreg:$0x1]  }
0x3: {  	s0 =	rddreg [dreg:$0x2];
	s1 =	stileid.u32  }
0x4: {  	s4 =	srdreg.scid;
	s3 =	simm.s32 $0x0;
	s13 =	simm.s32 $0x14000  }
0x5: {  	s14 =	simm.s32 $0x14080;
	s15 =	simm.s32 $0x80;
	s5 =	smul.u32 $0x9E0, s1  }
0x6: {  	s17 =	simm.s32 $0x1;
	s18 =	simm.s32 $0x0;
	s7 =	smul.u32 $0x2800, s1  }
0x7: {  	s16 =	sand.u32 $0x1, s4;
	[smem:$0x7FF] =	sst s3;
	s30 =	smul.u32 $0x50000, s1  }
0x8: {  	s4 =	sadd.s32 $0x93600, s6;
	s11 =	sshll.u32 s1, $0x6;
	s8 =	smul.u32 $0x28000, s16  }
0x9: {  	_ =	strace $0x80000050;
	s31 =	ssub.s32 $0x2, s16;
	v0 =	vmov s16;
	s16 =	simm.s32 $0x14100  }
0xa: {  	s10 =	sadd.s32 s5, s6;
	s5 =	sadd.s32 $0x40400, s6;
	s9 =	sshrl.u32 s31, $0x1  }
0xb: {  	s7 =	sadd.s32 s7, s8;
	s8 =	sshrl.u32 s30, $0x2;
	s9 =	ssub.s32 s31, s9  }
0xc: {  	s7 =	sadd.s32 s7, s6;
	s12 =	sadd.s32 s8, s2;
	s6 =	sor.u32 $0x1C02, s11  }
0xd: {  	s8 =	smax.u32 s9, $0x1;
	s9 =	sadd.s32 $0x3800, s10;
	s10 =	sadd.s32 $0xE600, s10  }
0xe: {  	s7 =	sadd.s32 $0xE3600, s7;
	s11 =	sshrl.u32 s12, $0x3;
	s12 =	simm.s32 $0x2  }
.LBB2_1:
0xf: {  	[spmem:s11], [sflag:s6] =	dma.local [hbm:s5], $0x2800  }
0x10: {  	_ =	swait.ge [sflag:s12], $0x2800  }
0x11: {  	[sflag:s12] =	ssyncset.done $0x0  }
0x12: {  	[sflag:s12] =	ssyncadd.s32 $0xFFFFD800  }
0x13: {  	s19 =	sadd.s32 $0x0, s10;
	[bflag:$0x0] =	sbarrier.arrive $0xFFFF  }
0x14: {  	[tilespmem:s13], [sflag:$0x2] =	stream.linear.gather [hbm4b:s19+s3], $0x80, $0x38;
	[tilespmem:$0x18100] =	vst v63  }
0x15: {  	_ =	swait.ge [sflag:s12], $0x80  }
0x16: {  	[sflag:s12] =	ssyncset.done $0x0  }
0x17: {  	s31 =	sadd.s32 $0x0, s9;
	[sflag:s12] =	ssyncadd.s32 $0xFFFFFF80  }
0x18: {  	[tilespmem:s14], [sflag:$0x2] =	stream.linear.gather [hbm4b:s31+s3], $0x80, $0x38;
	[tilespmem:$0x18100] =	vst v63  }
0x19: {  	_ =	swait.ge [sflag:s12], $0x80  }
0x1a: {  	[sflag:s12] =	ssyncset.done $0x0  }
0x1b: {  	[sflag:s12] =	ssyncadd.s32 $0xFFFFFF80  }
0x1c: {  	v1 =	vld [tilespmem:$0x14050]  }
0x1d: {  	v2 =	vld [tilespmem:$0x14030]  }
0x1e: {  	v3 =	vld [tilespmem:$0x14020]  }
0x1f: {  	v4 =	vld [tilespmem:$0x14010]  }
0x20: {  	v5 =	vld [tilespmem:$0x14040]  }
0x21: {  	v6 =	vld [tilespmem:$0x14000];
	v1 =	vshll.u32 v1, $0x1  }
0x22: {  	v7 =	vld [tilespmem:$0x14060];
	v2 =	vshll.u32 v2, $0x1;
	v1 =	vor.u32 v0, v1  }
0x23: {  	v8 =	vld [tilespmem:$0x14070];
	v3 =	vshll.u32 v3, $0x1;
	v2 =	vor.u32 v0, v2;
	[tilespmem:$0x14050] =	vst v1  }
0x24: {  	v3 =	vor.u32 v0, v3;
	v1 =	vshll.u32 v4, $0x1;
	[tilespmem:$0x14030] =	vst v2  }
0x25: {  	[tilespmem:$0x14020] =	vst v3;
	v2 =	vshll.u32 v5, $0x1;
	v1 =	vor.u32 v0, v1  }
0x26: {  	v3 =	vshll.u32 v6, $0x1;
	[tilespmem:$0x14010] =	vst v1;
	v1 =	vor.u32 v0, v2  }
0x27: {  	v2 =	vor.u32 v0, v3;
	[tilespmem:$0x14040] =	vst v1;
	v1 =	vshll.u32 v7, $0x1  }
0x28: {  	s19 =	simm.s32 $0x10;
	[tilespmem:$0x14000] =	vst v2;
	v2 =	vshll.u32 v8, $0x1;
	v1 =	vor.u32 v0, v1  }
.LBB2_2:
0x29: {  	p0 =	sne.s32 s19, $0x9D0;
	[tilespmem:$0x14060] =	vst v1;
	v1 =	vor.u32 v0, v2;
	s20 =	smov.u32 s19;
	s19 =	sadd.s32 $0x10, s19  }
0x2a: {  	[tilespmem:$0x14070] =	vst v1  }
0x2b: {  	[tilespmem:s16], [sflag:$0x1] =	stream.indirect.gather [hbm4b:s4+s15], $0x80, s13, s15, $0xb8;
	[tilespmem:$0x18100] =	vst v63  }
0x2c: {  	_ =	swait.ge [sflag:s17], $0x4000  }
0x2d: {  	[sflag:s17] =	ssyncset.done $0x0  }
0x2e: {  	[sflag:s17] =	ssyncadd.s32 $0xFFFFC000  }
0x2f: {  	[spmem:s2] =	stream.indirect.scatter.add.f32 [tilespmem:s16], [sflag:$0x2], $0x80, s14, s15, $0xb8;
	[tilespmem:$0x18100] =	vst v63  }
0x30: {  	s21 =	sadd.s32 s20, s10;
	_ =	swait.ge [sflag:s12], $0x4000  }
0x31: {  	[sflag:s12] =	ssyncset.done $0x0  }
0x32: {  	[sflag:s12] =	ssyncadd.s32 $0xFFFFC000  }
0x33: {  	[tilespmem:s13], [sflag:$0x2] =	stream.linear.gather [hbm4b:s21+s3], $0x80, $0x38;
	[tilespmem:$0x18100] =	vst v63  }
0x34: {  	_ =	swait.ge [sflag:s12], $0x80  }
0x35: {  	[sflag:s12] =	ssyncset.done $0x0  }
0x36: {  	s20 =	sadd.s32 s20, s9;
	[sflag:s12] =	ssyncadd.s32 $0xFFFFFF80  }
0x37: {  	[tilespmem:s14], [sflag:$0x2] =	stream.linear.gather [hbm4b:s20+s3], $0x80, $0x38;
	[tilespmem:$0x18100] =	vst v63  }
0x38: {  	_ =	swait.ge [sflag:s12], $0x80  }
0x39: {  	[sflag:s12] =	ssyncset.done $0x0  }
0x3a: {  	[sflag:s12] =	ssyncadd.s32 $0xFFFFFF80  }
0x3b: {  	v1 =	vld [tilespmem:$0x14050]  }
0x3c: {  	v2 =	vld [tilespmem:$0x14030]  }
0x3d: {  	v3 =	vld [tilespmem:$0x14020]  }
0x3e: {  	v4 =	vld [tilespmem:$0x14010]  }
0x3f: {  	v5 =	vld [tilespmem:$0x14040]  }
0x40: {  	v6 =	vld [tilespmem:$0x14000];
	v1 =	vshll.u32 v1, $0x1  }
0x41: {  	v2 =	vshll.u32 v2, $0x1;
	v1 =	vor.u32 v0, v1;
	v7 =	vld [tilespmem:$0x14060]  }
0x42: {  	v3 =	vshll.u32 v3, $0x1;
	v2 =	vor.u32 v0, v2;
	[tilespmem:$0x14050] =	vst v1;
	v8 =	vld [tilespmem:$0x14070]  }
.Ltmp0:
0x43: {  	v1 =	vshll.u32 v4, $0x1;
	v3 =	vor.u32 v0, v3;
	[tilespmem:$0x14030] =	vst v2;
	(pc) =	sbr.rel @p0 .LBB2_2-.Ltmp0, $4  }
0x44: {  	v1 =	vor.u32 v0, v1;
	[tilespmem:$0x14020] =	vst v3;
	v2 =	vshll.u32 v5, $0x1  }
0x45: {  	v3 =	vshll.u32 v6, $0x1;
	[tilespmem:$0x14010] =	vst v1;
	v1 =	vor.u32 v0, v2  }
0x46: {  	v2 =	vor.u32 v0, v3;
	[tilespmem:$0x14040] =	vst v1;
	v1 =	vshll.u32 v7, $0x1  }
0x47: {  	[tilespmem:$0x14000] =	vst v2;
	v1 =	vor.u32 v0, v1;
	v2 =	vshll.u32 v8, $0x1  }
0x48: {  	[tilespmem:$0x14060] =	vst v1;
	v1 =	vor.u32 v0, v2  }
0x49: {  	[tilespmem:$0x14070] =	vst v1  }
0x4a: {  	[tilespmem:s16], [sflag:$0x1] =	stream.indirect.gather [hbm4b:s4+s15], $0x80, s13, s15, $0xb8;
	[tilespmem:$0x18100] =	vst v63  }
0x4b: {  	_ =	swait.ge [sflag:s17], $0x4000  }
0x4c: {  	[sflag:s17] =	ssyncset.done $0x0  }
0x4d: {  	[sflag:s17] =	ssyncadd.s32 $0xFFFFC000  }
0x4e: {  	[spmem:s2] =	stream.indirect.scatter.add.f32 [tilespmem:s16], [sflag:$0x2], $0x80, s14, s15, $0xb8;
	[tilespmem:$0x18100] =	vst v63  }
0x4f: {  	_ =	swait.ge [sflag:s12], $0x4000  }
0x50: {  	s18 =	sadd.s32 $0x1, s18;
	[sflag:s12] =	ssyncset.done $0x0  }
0x51: {  	p0 =	sne.s32 s18, s8;
	[sflag:s12] =	ssyncadd.s32 $0xFFFFC000  }
.Ltmp1:
0x52: {  	[bflag:$0x0] =	sbarrier.arrive $0xFFFF;
	(pc) =	sbr.rel @p0 .LBB2_1-.Ltmp1, $4  }
0x53: {  	[hbm:s7], [sflag:s6] =	dma.local [spmem:s11], $0x2800  }
0x54: {  	_ =	swait.ge [sflag:s12], $0x2800  }
0x55: {  	[sflag:s12] =	ssyncset.done $0x0  }
0x56: {  	[sflag:s12] =	ssyncadd.s32 $0xFFFFD800  }
0x57: {  	_ =	sfence.sel $0x180000  }
0x58: {  	[bflag:$0x0] =	sbarrier.arrive $0xFFFF  }
0x59: {  	p0 =	sne.s32 s1, $0x0;
	_ =	strace $0x90000050  }
0x5a: {  	s0 =	sadd.s32 @!p0 $0x100000, s0;
	[bflag:$0x2] =	sbarrier.arrive $0xFFFF  }
0x5b: {  	[sflag:s0] =	ssyncadd.tile.s32 @!p0 $0x1;
	_ =	shalt  }
.Lfunc_end2:
_tile_overlayer_lowered:
.L_overlay_start_2:
0x5c: {  	(tag) =	ssettag $0x2  }
0x5d: {  	s0 =	rddreg [dreg:$0x0];
	s2 =	stileid.u32  }
0x5e: {  	s1 =	rddreg [dreg:$0x1];
	p0 =	sne.s32 s2, $0x0  }
0x5f: {  	s3 =	rddreg [dreg:$0x2];
	[bflag:$0x3] =	sbarrier.arrive $0xFFFF;
	s2 =	simm.s32 @!p0 $0x1C02  }
0x60: {  	[timem:s3], [sflag:s2] =	dma.local @!p0 [hbm:s0], s1  }
0x61: {  	s0 =	simm.s32 @!p0 $0x2  }
0x62: {  	_ =	swait.ge @!p0 [sflag:s0], s1  }
0x63: {  	s1 =	ssub.s32 @!p0 $0x0, s1;
	[sflag:s0] =	ssyncset.done @!p0 $0x0  }
0x64: {  	[sflag:s0] =	ssyncadd.s32 @!p0 s1  }
0x65: {  	[bflag:$0x3] =	sbarrier.arrive $0xFFFF  }
0x66: {  	_ =	shalt  }

</sc_bundles>
